<compile_context>
chip_gen: v7x
topology: tpu7x:2x2x1
jax: 0.10.2.dev20260603
libtpu: 0.0.44.dev20260713+nightly
codegen_flags: <defaults>
</compile_context>

<pallas_src>
import functools

import jax
import jax.numpy as jnp
from jax import lax
from jax.experimental import pallas as pl
from jax.experimental.pallas import tpu as pltpu
from jax.experimental.pallas import tpu_sc as plsc

NWD = 10000
NST = 10000
NEDGE = 160000
DIM = 256
NH = 8
HDIM = 32
NFF = 512
NCORE = 2
NTILE = 16
NG = 4
GC = 64
CC = 128
TPG = 8
EPTA = NEDGE // TPG
CHA = 400
NCHA = EPTA // CHA
EPTB = NEDGE // NTILE
CHB = 80
NCHB = EPTB // CHB
TAB = NWD * 2
TABP = 20480
RED = TABP // TPG
ROWB = 2000


def _pre_body(sent_ref, word_ref, wsrc_ref, wdst_ref, al_ref, ar_ref,
              feat_ref, el_ref, er_ref, mx_ref):
    i = pl.program_id(0)
    fs = jnp.dot(sent_ref[...], wsrc_ref[...],
                 preferred_element_type=jnp.float32)
    fd = jnp.dot(word_ref[...], wdst_ref[...],
                 preferred_element_type=jnp.float32)
    el = jnp.sum(fs.reshape(ROWB, NH, HDIM) * al_ref[...][None], axis=-1)
    er = jnp.sum(fd.reshape(ROWB, NH, HDIM) * ar_ref[...][None], axis=-1)
    feat_ref[0] = fs[:, :CC]
    feat_ref[1] = fs[:, CC:]
    for g in range(NG):
        el_ref[g] = el[:, 2 * g:2 * g + 2]
        er_ref[g] = er[:, 2 * g:2 * g + 2]
    bm = jnp.max(el, axis=0).reshape(NG, 2)
    bm = jnp.concatenate(
        [bm, jnp.full((NG, 126), -1e30, jnp.float32)], axis=1)

    @pl.when(i == 0)
    def _():
        mx_ref[...] = bm

    @pl.when(i > 0)
    def _():
        mx_ref[...] = jnp.maximum(mx_ref[...], bm)


def _pre(sent, word, wsrc, wdst, al, ar):
    grid = NST // ROWB
    return pl.pallas_call(
        _pre_body,
        grid=(grid,),
        in_specs=[
            pl.BlockSpec((ROWB, DIM), lambda i: (i, 0)),
            pl.BlockSpec((ROWB, DIM), lambda i: (i, 0)),
            pl.BlockSpec((DIM, DIM), lambda i: (0, 0)),
            pl.BlockSpec((DIM, DIM), lambda i: (0, 0)),
            pl.BlockSpec((NH, HDIM), lambda i: (0, 0)),
            pl.BlockSpec((NH, HDIM), lambda i: (0, 0)),
        ],
        out_specs=[
            pl.BlockSpec((NCORE, ROWB, CC), lambda i: (0, i, 0)),
            pl.BlockSpec((NG, ROWB, 2), lambda i: (0, i, 0)),
            pl.BlockSpec((NG, ROWB, 2), lambda i: (0, i, 0)),
            pl.BlockSpec((NG, 128), lambda i: (0, 0)),
        ],
        out_shape=[
            jax.ShapeDtypeStruct((NCORE, NST, CC), jnp.float32),
            jax.ShapeDtypeStruct((NG, NST, 2), jnp.float32),
            jax.ShapeDtypeStruct((NG, NWD, 2), jnp.float32),
            jax.ShapeDtypeStruct((NG, 128), jnp.float32),
        ],
    )(sent, word, wsrc, wdst, al, ar)


def _lrelu(x):
    return jnp.where(x >= 0.0, x, 0.2 * x)


def _sc_edge_softmax(el4, er4, mx4, src, dst):
    mesh = plsc.VectorSubcoreMesh(core_axis_name="c", subcore_axis_name="s")

    @functools.partial(
        pl.kernel,
        out_type=jax.ShapeDtypeStruct((NG * NEDGE * 2,), jnp.float32),
        mesh=mesh,
        compiler_params=pltpu.CompilerParams(needs_layout_passes=False),
        scratch_types=[
            pltpu.VMEM((TAB,), jnp.float32),
            pltpu.VMEM((TAB,), jnp.float32),
            pltpu.VMEM((128,), jnp.float32),
            pltpu.VMEM((TABP,), jnp.float32),
            pltpu.VMEM((CHA,), jnp.int32),
            pltpu.VMEM((CHA,), jnp.int32),
            pltpu.VMEM((CHA * 2,), jnp.float32),
            pltpu.VMEM((RED,), jnp.float32),
            pltpu.VMEM((RED,), jnp.float32),
            pltpu.VMEM_SHARED((NTILE, TABP), jnp.float32),
            pltpu.VMEM_SHARED((2, TABP), jnp.float32),
        ],
    )
    def kern(el_h, er_h, mx_h, src_h, dst_h, ex_h,
             el_t, er_t, mx_t, den_t, src_b, dst_b, ex_b, tmp_b, acc_b,
             slab, dfull):
        c = lax.axis_index("c")
        s = lax.axis_index("s")
        g = s >> 3
        st = s & 7
        cg = c * 2 + g
        pltpu.sync_copy(el_h.at[cg], el_t)
        pltpu.sync_copy(er_h.at[cg], er_t)
        pltpu.sync_copy(mx_h.at[cg], mx_t)

        def zloop(v, _):
            den_t[pl.ds(v * 16, 16)] = jnp.zeros((16,), jnp.float32)
            return 0
        lax.fori_loop(0, TABP // 16, zloop, 0)

        def chunk(i, _):
            off = st * EPTA + i * CHA
            pltpu.sync_copy(src_h.at[pl.ds(pl.multiple_of(off, 8), CHA)],
                            src_b)
            pltpu.sync_copy(dst_h.at[pl.ds(pl.multiple_of(off, 8), CHA)],
                            dst_b)

            def oct_(v, _):
                iv2 = lax.iota(jnp.int32, 16) >> 1
                im2 = lax.iota(jnp.int32, 16) & 1
                mxe = plsc.load_gather(mx_t, [im2])
                eb = v * 8
                sidx = plsc.load_gather(src_b, [iv2 + eb]) * 2 + im2
                didx = plsc.load_gather(dst_b, [iv2 + eb]) * 2 + im2
                elg = plsc.load_gather(el_t, [sidx])
                erg = plsc.load_gather(er_t, [didx])
                e = _lrelu(elg + erg)
                k = _lrelu(mxe + erg)
                ex = jnp.exp(e - k)
                ex_b[pl.ds(v * 16, 16)] = ex
                for p in range(8):
                    plsc.addupdate_scatter(den_t, [didx], ex, mask=iv2 == p)
                return 0
            lax.fori_loop(0, CHA // 8, oct_, 0)
            pltpu.sync_copy(
                ex_b,
                ex_h.at[pl.ds(
                    pl.multiple_of(cg * (NEDGE * 2) + off * 2, 8), CHA * 2)])
            return 0
        lax.fori_loop(0, NCHA, chunk, 0)

        pltpu.sync_copy(den_t, slab.at[s])
        plsc.subcore_barrier()
        base = g * TPG
        roff = pl.multiple_of(st * RED, 8)
        pltpu.sync_copy(slab.at[base, pl.ds(roff, RED)], acc_b)

        def red(t, _):
            pltpu.sync_copy(slab.at[t, pl.ds(roff, RED)], tmp_b)

            def radd(v, _):
                w = pl.ds(v * 16, 16)
                acc_b[w] = acc_b[w] + tmp_b[w]
                return 0
            lax.fori_loop(0, RED // 16, radd, 0)
            return 0
        lax.fori_loop(base + 1, base + TPG, red, 0)

        def inv(v, _):
            w = pl.ds(v * 16, 16)
            acc_b[w] = 1.0 / jnp.maximum(acc_b[w], 1e-9)
            return 0
        lax.fori_loop(0, RED // 16, inv, 0)
        pltpu.sync_copy(acc_b, dfull.at[g, pl.ds(roff, RED)])
        plsc.subcore_barrier()
        pltpu.sync_copy(dfull.at[g], den_t)

        def chunk2(i, _):
            off = st * EPTA + i * CHA
            pltpu.sync_copy(dst_h.at[pl.ds(pl.multiple_of(off, 8), CHA)],
                            dst_b)
            eslice = pl.ds(
                pl.multiple_of(cg * (NEDGE * 2) + off * 2, 8), CHA * 2)
            pltpu.sync_copy(ex_h.at[eslice], ex_b)

            def oct_(v, _):
                iv2 = lax.iota(jnp.int32, 16) >> 1
                im2 = lax.iota(jnp.int32, 16) & 1
                didx = plsc.load_gather(dst_b, [iv2 + v * 8]) * 2 + im2
                dv = plsc.load_gather(den_t, [didx])
                w = pl.ds(v * 16, 16)
                ex_b[w] = ex_b[w] * dv
                return 0
            lax.fori_loop(0, CHA // 8, oct_, 0)
            pltpu.sync_copy(ex_b, ex_h.at[eslice])
            return 0
        lax.fori_loop(0, NCHA, chunk2, 0)

    return kern(el4, er4, mx4, src, dst)


def _sc_aggregate(feat2, src, dst, alphaf):
    mesh = plsc.VectorSubcoreMesh(core_axis_name="c", subcore_axis_name="s")

    @functools.partial(
        pl.kernel,
        out_type=jax.ShapeDtypeStruct((NCORE, NWD, CC), jnp.float32),
        mesh=mesh,
        compiler_params=pltpu.CompilerParams(needs_layout_passes=False),
        scratch_types=[
            pltpu.VMEM((CHB, CC), jnp.float32),
            pltpu.VMEM((CHB,), jnp.int32),
            pltpu.VMEM((CHB,), jnp.int32),
            pltpu.VMEM((CHB * 2,), jnp.float32),
            pltpu.VMEM((CHB * 2,), jnp.float32),
            pltpu.VMEM_SHARED((NWD, CC), jnp.float32),
        ],
    )
    def kern(feat_h, src_h, dst_h, a_h, rst_h,
             fbuf, src_b, dst_b, a0_b, a1_b, racc):
        c = lax.axis_index("c")
        s = lax.axis_index("s")

        def zloop(v, _):
            fbuf[v >> 3, pl.ds((v & 7) * 16, 16)] = jnp.zeros(
                (16,), jnp.float32)
            return 0
        lax.fori_loop(0, CHB * (CC // 16), zloop, 0)

        z0 = s * 640

        @pl.when(s < 15)
        def _():
            def zcopy(r, _):
                pltpu.sync_copy(
                    fbuf,
                    racc.at[pl.ds(pl.multiple_of(z0 + r * CHB, 8), CHB)])
                return 0
            lax.fori_loop(0, 640 // CHB, zcopy, 0)

        @pl.when(s == 15)
        def _():
            def zcopy(r, _):
                pltpu.sync_copy(
                    fbuf,
                    racc.at[pl.ds(pl.multiple_of(z0 + r * CHB, 8), CHB)])
                return 0
            lax.fori_loop(0, 400 // CHB, zcopy, 0)
        plsc.subcore_barrier()

        def chunk(i, _):
            off = s * EPTB + i * CHB
            pltpu.sync_copy(src_h.at[pl.ds(pl.multiple_of(off, 8), CHB)],
                            src_b)
            pltpu.sync_copy(dst_h.at[pl.ds(pl.multiple_of(off, 8), CHB)],
                            dst_b)
            pltpu.sync_copy(
                a_h.at[pl.ds(
                    pl.multiple_of((2 * c) * (NEDGE * 2) + off * 2, 8),
                    CHB * 2)], a0_b)
            pltpu.sync_copy(
                a_h.at[pl.ds(
                    pl.multiple_of((2 * c + 1) * (NEDGE * 2) + off * 2, 8),
                    CHB * 2)], a1_b)

            def soff(v, _):
                w = pl.ds(v * 16, 16)
                src_b[w] = src_b[w] + c * NST
                return 0
            lax.fori_loop(0, CHB // 16, soff, 0)
            pltpu.sync_copy(feat_h.at[src_b], fbuf)

            def scale(e, _):
                for h in range(4):
                    ab = a0_b if h < 2 else a1_b
                    av = plsc.load_gather(
                        ab, [jnp.full((16,), 0, jnp.int32) + e * 2 + (h & 1)])
                    for j in range(2):
                        w = pl.ds(h * HDIM + j * 16, 16)
                        fbuf[e, w] = fbuf[e, w] * av
                return 0
            lax.fori_loop(0, CHB, scale, 0)
            pltpu.sync_copy(fbuf, racc.at[dst_b], add=True)
            return 0
        lax.fori_loop(0, NCHB, chunk, 0)

        plsc.subcore_barrier()

        @pl.when(s < 15)
        def _():
            pltpu.sync_copy(
                racc.at[pl.ds(pl.multiple_of(z0, 8), 640)],
                rst_h.at[c, pl.ds(pl.multiple_of(z0, 8), 640)])

        @pl.when(s == 15)
        def _():
            pltpu.sync_copy(racc.at[pl.ds(9600, 400)],
                            rst_h.at[c, pl.ds(9600, 400)])

    return kern(feat2, src, dst, alphaf)


def _ffn_body(word_ref, rst_ref, bg_ref, w1_ref, b1_ref, w2_ref, b2_ref,
              out_ref):
    r = jnp.concatenate([rst_ref[0], rst_ref[1]], axis=1) + bg_ref[...][None]
    u = jnp.where(r > 0.0, r, jnp.exp(jnp.minimum(r, 0.0)) - 1.0)
    h = word_ref[...] + u
    t = jnp.maximum(
        jnp.dot(h, w1_ref[...], preferred_element_type=jnp.float32)
        + b1_ref[...][None], 0.0)
    out_ref[...] = (jnp.dot(t, w2_ref[...], preferred_element_type=jnp.float32)
                    + b2_ref[...][None])


def _ffn(word, rst, bg, w1, b1, w2, b2):
    grid = NWD // ROWB
    return pl.pallas_call(
        _ffn_body,
        grid=(grid,),
        in_specs=[
            pl.BlockSpec((ROWB, DIM), lambda i: (i, 0)),
            pl.BlockSpec((NCORE, ROWB, CC), lambda i: (0, i, 0)),
            pl.BlockSpec((DIM,), lambda i: (0,)),
            pl.BlockSpec((DIM, NFF), lambda i: (0, 0)),
            pl.BlockSpec((NFF,), lambda i: (0,)),
            pl.BlockSpec((NFF, DIM), lambda i: (0, 0)),
            pl.BlockSpec((DIM,), lambda i: (0,)),
        ],
        out_specs=pl.BlockSpec((ROWB, DIM), lambda i: (i, 0)),
        out_shape=jax.ShapeDtypeStruct((NWD, DIM), jnp.float32),
    )(word, rst, bg, w1, b1, w2, b2)


def kernel(word_repr, sent_repr, edge_index, W_src, W_dst, attn_l, attn_r,
           bias_gat, w1, b1, w2, b2):
    src = edge_index[0].astype(jnp.int32)
    dst = edge_index[1].astype(jnp.int32)
    feat2, el4, er4, mx4 = _pre(sent_repr, word_repr, W_src, W_dst,
                                attn_l, attn_r)
    el4f = el4.reshape(NG, TAB)
    er4f = er4.reshape(NG, TAB)
    alphaf = _sc_edge_softmax(el4f, er4f, mx4, src, dst)
    feat2f = feat2.reshape(NCORE * NST, CC)
    rst = _sc_aggregate(feat2f, src, dst, alphaf)
    return _ffn(word_repr, rst, bias_gat, w1, b1, w2, b2)

# --- scband reference (transcript-rebuilt; emitter-appended) ---
"""Pipeline reference for scband-heroes-1082331759100 (READ-ONLY COPY).

The authoritative reference and input builder live on the scoring server;
editing this copy changes nothing except your own understanding.
"""

import jax, jax.numpy as jnp
import numpy as np

N_WORD = 10000
N_SENT = 10000
E = 160000
WORD_DIM = 256
SENT_DIM = 256
HEADS = 8
DH = WORD_DIM // HEADS  # 32 per-head out feats
FFN = 512


def setup_inputs(seed: int = 0) -> dict:
    key = jax.random.key(seed)
    ks = jax.random.split(key, 12)
    word_repr = jax.random.normal(ks[0], (N_WORD, WORD_DIM), dtype=jnp.float32)
    sent_repr = jax.random.normal(ks[1], (N_SENT, SENT_DIM), dtype=jnp.float32)
    src = jax.random.randint(ks[2], (E,), 0, N_SENT)
    dst = jax.random.randint(ks[3], (E,), 0, N_WORD)
    edge_index = jnp.stack([src, dst]).astype(jnp.int64)
    # GATConv params (bipartite: fc_src on sent feats, fc_dst on word feats for attention)
    W_src = jax.random.normal(ks[4], (SENT_DIM, HEADS * DH), dtype=jnp.float32) / np.sqrt(SENT_DIM)
    W_dst = jax.random.normal(ks[5], (WORD_DIM, HEADS * DH), dtype=jnp.float32) / np.sqrt(WORD_DIM)
    attn_l = jax.random.normal(ks[6], (HEADS, DH), dtype=jnp.float32) * 0.1
    attn_r = jax.random.normal(ks[7], (HEADS, DH), dtype=jnp.float32) * 0.1
    bias_gat = jnp.zeros((HEADS * DH,), dtype=jnp.float32)
    # FeedForwardNetwork params
    w1 = jax.random.normal(ks[8], (WORD_DIM, FFN), dtype=jnp.float32) / np.sqrt(WORD_DIM)
    b1 = jnp.zeros((FFN,), dtype=jnp.float32)
    w2 = jax.random.normal(ks[9], (FFN, WORD_DIM), dtype=jnp.float32) / np.sqrt(FFN)
    b2 = jnp.zeros((WORD_DIM,), dtype=jnp.float32)
    return {
        "word_repr": word_repr,
        "sent_repr": sent_repr,
        "edge_index": edge_index,
        "W_src": W_src,
        "W_dst": W_dst,
        "attn_l": attn_l,
        "attn_r": attn_r,
        "bias_gat": bias_gat,
        "w1": w1,
        "b1": b1,
        "w2": w2,
        "b2": b2,
    }


def reference(word_repr, sent_repr, edge_index, W_src, W_dst, attn_l, attn_r, bias_gat, w1, b1, w2, b2):
    # Faithful JAX port of HEROES WordGAT: bipartite GATConv (sent->word) + ELU + FFN.
    # dropout layers are identity (eval mode).
    src = edge_index[0]
    dst = edge_index[1]
    feat_src = (sent_repr @ W_src).reshape(N_SENT, HEADS, DH)
    feat_dst = (word_repr @ W_dst).reshape(N_WORD, HEADS, DH)
    el = jnp.sum(feat_src * attn_l, axis=-1)  # [N_SENT, H]
    er = jnp.sum(feat_dst * attn_r, axis=-1)  # [N_WORD, H]
    e = jax.nn.leaky_relu(el[src] + er[dst], negative_slope=0.2)  # [E, H]
    # numerically-stable edge softmax over incoming edges per dst node
    emax = jax.ops.segment_max(e, dst, num_segments=N_WORD)
    emax = jnp.where(jnp.isfinite(emax), emax, 0.0)
    ex = jnp.exp(e - emax[dst])
    denom = jax.ops.segment_sum(ex, dst, num_segments=N_WORD)
    alpha = ex / jnp.maximum(denom[dst], 1e-9)  # [E, H]
    msg = alpha[:, :, None] * feat_src[src]  # [E, H, DH]
    rst = jax.ops.segment_sum(msg, dst, num_segments=N_WORD)  # [N_WORD, H, DH]
    rst = rst.reshape(N_WORD, HEADS * DH) + bias_gat
    update = jax.nn.elu(rst)
    # output = FFN(residual + update)
    h = word_repr + update
    out = jax.nn.relu(h @ w1 + b1) @ w2 + b2
    return out

if __name__ == "__main__":
    import jax
    _d = setup_inputs()
    print(jax.jit(kernel)(*tuple(_d.values())))

</pallas_src>

<mosaic_0001>
#map = affine_map<(d0, d1) -> (0, 0)>
#map1 = affine_map<(d0, d1) -> (0)>
module attributes {stable_mosaic.version = 14 : i64} {
  func.func @kern(%arg0: i32, %arg1: i32, %arg2: memref<4x20000xf32, #tpu.memory_space<hbm>>, %arg3: memref<4x20000xf32, #tpu.memory_space<hbm>>, %arg4: memref<4x128xf32, #tpu.memory_space<hbm>>, %arg5: memref<160000xi32, #tpu.memory_space<hbm>>, %arg6: memref<160000xi32, #tpu.memory_space<hbm>>, %arg7: memref<1280000xf32, #tpu.memory_space<hbm>>, %arg8: memref<20000xf32, #tpu.memory_space<vmem>>, %arg9: memref<20000xf32, #tpu.memory_space<vmem>>, %arg10: memref<128xf32, #tpu.memory_space<vmem>>, %arg11: memref<20480xf32, #tpu.memory_space<vmem>>, %arg12: memref<400xi32, #tpu.memory_space<vmem>>, %arg13: memref<400xi32, #tpu.memory_space<vmem>>, %arg14: memref<800xf32, #tpu.memory_space<vmem>>, %arg15: memref<2560xf32, #tpu.memory_space<vmem>>, %arg16: memref<2560xf32, #tpu.memory_space<vmem>>, %arg17: memref<16x20480xf32, #tpu.memory_space<vmem_shared>>, %arg18: memref<2x20480xf32, #tpu.memory_space<vmem_shared>>) attributes {dimension_semantics = [#tpu.dimension_semantics<core_parallel>, #tpu.dimension_semantics<subcore_parallel>], iteration_bounds = array<i64: 2, 16>, scalar_prefetch = 0 : i64, scratch_operands = 11 : i64, tpu.core_type = #tpu.core_type<sc_vector_subcore>, window_params = [{transform_indices = #map}, {transform_indices = #map}, {transform_indices = #map}, {transform_indices = #map1}, {transform_indices = #map1}, {transform_indices = #map1}]} {
    %shift_right_arithmetic3A = arith.constant 3 : i32
    %shift_right_arithmetic3A_0 = arith.shrsi %arg1, %shift_right_arithmetic3A : i32
    %and3A = arith.constant 7 : i32
    %and3A_1 = arith.andi %arg1, %and3A : i32
    %mul3A = arith.constant 2 : i32
    %mul3A_2 = arith.muli %arg0, %mul3A : i32
    %add3A = arith.addi %mul3A_2, %shift_right_arithmetic3A_0 : i32
    "tpu.region"() ({
      %run_scoped3A = tpu.sem_alloc : memref<!tpu.dma_semaphore, #tpu.memory_space<semaphore_mem>>
      %dma_start3A = arith.constant 0 : i32
      %dma_start3A_49 = tpu.memref_slice %arg2[%add3A, %dma_start3A] : memref<4x20000xf32, #tpu.memory_space<hbm>> -> memref<1x20000xf32, #tpu.memory_space<hbm>>
      %dma_start3A_50 = tpu.memref_squeeze %dma_start3A_49 : memref<1x20000xf32, #tpu.memory_space<hbm>> -> memref<20000xf32, #tpu.memory_space<hbm>>
      %dma_start3A_51 = arith.constant 0 : i32
      %dma_start3A_52 = tpu.memref_slice %arg2[%add3A, %dma_start3A_51] : memref<4x20000xf32, #tpu.memory_space<hbm>> -> memref<1x20000xf32, #tpu.memory_space<hbm>>
      %dma_start3A_53 = tpu.memref_squeeze %dma_start3A_52 : memref<1x20000xf32, #tpu.memory_space<hbm>> -> memref<20000xf32, #tpu.memory_space<hbm>>
      tpu.enqueue_dma source(%dma_start3A_53 : memref<20000xf32, #tpu.memory_space<hbm>>) target(%arg8 : memref<20000xf32, #tpu.memory_space<vmem>>) target_semaphore(%run_scoped3A : memref<!tpu.dma_semaphore, #tpu.memory_space<semaphore_mem>>)
      %dma_wait3A = arith.constant 0 : i32
      %dma_wait3A_54 = tpu.memref_slice %arg2[%add3A, %dma_wait3A] : memref<4x20000xf32, #tpu.memory_space<hbm>> -> memref<1x20000xf32, #tpu.memory_space<hbm>>
      %dma_wait3A_55 = tpu.memref_squeeze %dma_wait3A_54 : memref<1x20000xf32, #tpu.memory_space<hbm>> -> memref<20000xf32, #tpu.memory_space<hbm>>
      %dma_wait3A_56 = arith.constant 0 : i32
      %dma_wait3A_57 = tpu.memref_slice %arg2[%add3A, %dma_wait3A_56] : memref<4x20000xf32, #tpu.memory_space<hbm>> -> memref<1x20000xf32, #tpu.memory_space<hbm>>
      %dma_wait3A_58 = tpu.memref_squeeze %dma_wait3A_57 : memref<1x20000xf32, #tpu.memory_space<hbm>> -> memref<20000xf32, #tpu.memory_space<hbm>>
      tpu.wait_dma2 semaphore(%run_scoped3A : memref<!tpu.dma_semaphore, #tpu.memory_space<semaphore_mem>>) src(%dma_wait3A_58 : memref<20000xf32, #tpu.memory_space<hbm>>) dst(%arg8 : memref<20000xf32, #tpu.memory_space<vmem>>)
      tpu.yield
    }) : () -> ()
    "tpu.region"() ({
      %run_scoped3A = tpu.sem_alloc : memref<!tpu.dma_semaphore, #tpu.memory_space<semaphore_mem>>
      %dma_start3A = arith.constant 0 : i32
      %dma_start3A_49 = tpu.memref_slice %arg3[%add3A, %dma_start3A] : memref<4x20000xf32, #tpu.memory_space<hbm>> -> memref<1x20000xf32, #tpu.memory_space<hbm>>
      %dma_start3A_50 = tpu.memref_squeeze %dma_start3A_49 : memref<1x20000xf32, #tpu.memory_space<hbm>> -> memref<20000xf32, #tpu.memory_space<hbm>>
      %dma_start3A_51 = arith.constant 0 : i32
      %dma_start3A_52 = tpu.memref_slice %arg3[%add3A, %dma_start3A_51] : memref<4x20000xf32, #tpu.memory_space<hbm>> -> memref<1x20000xf32, #tpu.memory_space<hbm>>
      %dma_start3A_53 = tpu.memref_squeeze %dma_start3A_52 : memref<1x20000xf32, #tpu.memory_space<hbm>> -> memref<20000xf32, #tpu.memory_space<hbm>>
      tpu.enqueue_dma source(%dma_start3A_53 : memref<20000xf32, #tpu.memory_space<hbm>>) target(%arg9 : memref<20000xf32, #tpu.memory_space<vmem>>) target_semaphore(%run_scoped3A : memref<!tpu.dma_semaphore, #tpu.memory_space<semaphore_mem>>)
      %dma_wait3A = arith.constant 0 : i32
      %dma_wait3A_54 = tpu.memref_slice %arg3[%add3A, %dma_wait3A] : memref<4x20000xf32, #tpu.memory_space<hbm>> -> memref<1x20000xf32, #tpu.memory_space<hbm>>
      %dma_wait3A_55 = tpu.memref_squeeze %dma_wait3A_54 : memref<1x20000xf32, #tpu.memory_space<hbm>> -> memref<20000xf32, #tpu.memory_space<hbm>>
      %dma_wait3A_56 = arith.constant 0 : i32
      %dma_wait3A_57 = tpu.memref_slice %arg3[%add3A, %dma_wait3A_56] : memref<4x20000xf32, #tpu.memory_space<hbm>> -> memref<1x20000xf32, #tpu.memory_space<hbm>>
      %dma_wait3A_58 = tpu.memref_squeeze %dma_wait3A_57 : memref<1x20000xf32, #tpu.memory_space<hbm>> -> memref<20000xf32, #tpu.memory_space<hbm>>
      tpu.wait_dma2 semaphore(%run_scoped3A : memref<!tpu.dma_semaphore, #tpu.memory_space<semaphore_mem>>) src(%dma_wait3A_58 : memref<20000xf32, #tpu.memory_space<hbm>>) dst(%arg9 : memref<20000xf32, #tpu.memory_space<vmem>>)
      tpu.yield
    }) : () -> ()
    "tpu.region"() ({
      %run_scoped3A = tpu.sem_alloc : memref<!tpu.dma_semaphore, #tpu.memory_space<semaphore_mem>>
      %dma_start3A = arith.constant 0 : i32
      %dma_start3A_49 = tpu.memref_slice %arg4[%add3A, %dma_start3A] : memref<4x128xf32, #tpu.memory_space<hbm>> -> memref<1x128xf32, #tpu.memory_space<hbm>>
      %dma_start3A_50 = tpu.memref_squeeze %dma_start3A_49 : memref<1x128xf32, #tpu.memory_space<hbm>> -> memref<128xf32, #tpu.memory_space<hbm>>
      %dma_start3A_51 = arith.constant 0 : i32
      %dma_start3A_52 = tpu.memref_slice %arg4[%add3A, %dma_start3A_51] : memref<4x128xf32, #tpu.memory_space<hbm>> -> memref<1x128xf32, #tpu.memory_space<hbm>>
      %dma_start3A_53 = tpu.memref_squeeze %dma_start3A_52 : memref<1x128xf32, #tpu.memory_space<hbm>> -> memref<128xf32, #tpu.memory_space<hbm>>
      tpu.enqueue_dma source(%dma_start3A_53 : memref<128xf32, #tpu.memory_space<hbm>>) target(%arg10 : memref<128xf32, #tpu.memory_space<vmem>>) target_semaphore(%run_scoped3A : memref<!tpu.dma_semaphore, #tpu.memory_space<semaphore_mem>>)
      %dma_wait3A = arith.constant 0 : i32
      %dma_wait3A_54 = tpu.memref_slice %arg4[%add3A, %dma_wait3A] : memref<4x128xf32, #tpu.memory_space<hbm>> -> memref<1x128xf32, #tpu.memory_space<hbm>>
      %dma_wait3A_55 = tpu.memref_squeeze %dma_wait3A_54 : memref<1x128xf32, #tpu.memory_space<hbm>> -> memref<128xf32, #tpu.memory_space<hbm>>
      %dma_wait3A_56 = arith.constant 0 : i32
      %dma_wait3A_57 = tpu.memref_slice %arg4[%add3A, %dma_wait3A_56] : memref<4x128xf32, #tpu.memory_space<hbm>> -> memref<1x128xf32, #tpu.memory_space<hbm>>
      %dma_wait3A_58 = tpu.memref_squeeze %dma_wait3A_57 : memref<1x128xf32, #tpu.memory_space<hbm>> -> memref<128xf32, #tpu.memory_space<hbm>>
      tpu.wait_dma2 semaphore(%run_scoped3A : memref<!tpu.dma_semaphore, #tpu.memory_space<semaphore_mem>>) src(%dma_wait3A_58 : memref<128xf32, #tpu.memory_space<hbm>>) dst(%arg10 : memref<128xf32, #tpu.memory_space<vmem>>)
      tpu.yield
    }) : () -> ()
    %scan3A = arith.constant 0 : i32
    %scan3A_3 = arith.constant 0 : i32
    %scan3A_4 = arith.constant 1280 : i32
    %scan3A_5 = arith.addi %scan3A_3, %scan3A_4 : i32
    %scan3A_6 = arith.constant 1 : i32
    %scan3A_7 = scf.for %scan3A_49 = %scan3A_3 to %scan3A_5 step %scan3A_6 iter_args(%scan3A_50 = %scan3A) -> (i32)  : i32 {
      %broadcast_in_dim3A = arith.constant 0.000000e+00 : f32
      %broadcast_in_dim3A_51 = vector.broadcast %broadcast_in_dim3A : f32 to vector<16xf32>
      %mul3A_52 = arith.constant 16 : i32
      %mul3A_53 = arith.muli %scan3A_49, %mul3A_52 : i32
      %swap3A = arith.index_cast %mul3A_53 : i32 to index
      %swap3A_54 = tpu.vector_load %arg11[%swap3A] {strides = array<i32>} : memref<20480xf32, #tpu.memory_space<vmem>>, vector<16xf32>,
      tpu.vector_store %arg11[%swap3A], %broadcast_in_dim3A_51 {strides = array<i32>} : memref<20480xf32, #tpu.memory_space<vmem>>, vector<16xf32>,
      %scan3A_55 = arith.constant 0 : i32
      scf.yield %scan3A_55 : i32
    }
    %scan3A_8 = arith.constant 1280 : i32
    %scan3A_9 = arith.constant 0 : i32
    %scan3A_10 = arith.constant 0 : i32
    %scan3A_11 = arith.constant 50 : i32
    %scan3A_12 = arith.addi %scan3A_10, %scan3A_11 : i32
    %scan3A_13 = arith.constant 1 : i32
    %scan3A_14 = scf.for %scan3A_49 = %scan3A_10 to %scan3A_12 step %scan3A_13 iter_args(%scan3A_50 = %scan3A_9) -> (i32)  : i32 {
      %mul3A_51 = arith.constant 20000 : i32
      %mul3A_52 = arith.muli %and3A_1, %mul3A_51 : i32
      %mul3A_53 = arith.constant 400 : i32
      %mul3A_54 = arith.muli %scan3A_49, %mul3A_53 : i32
      %add3A_55 = arith.addi %mul3A_52, %mul3A_54 : i32
      %multiple_of3A_56 = tpu.assume_multiple %add3A_55, 8 : i32
      "tpu.region"() ({
        %run_scoped3A = tpu.sem_alloc : memref<!tpu.dma_semaphore, #tpu.memory_space<semaphore_mem>>
        %dma_start3A = tpu.memref_slice %arg5[%multiple_of3A_56] : memref<160000xi32, #tpu.memory_space<hbm>> -> memref<400xi32, #tpu.memory_space<hbm>>
        %dma_start3A_72 = tpu.memref_slice %arg5[%multiple_of3A_56] : memref<160000xi32, #tpu.memory_space<hbm>> -> memref<400xi32, #tpu.memory_space<hbm>>
        tpu.enqueue_dma source(%dma_start3A_72 : memref<400xi32, #tpu.memory_space<hbm>>) target(%arg12 : memref<400xi32, #tpu.memory_space<vmem>>) target_semaphore(%run_scoped3A : memref<!tpu.dma_semaphore, #tpu.memory_space<semaphore_mem>>)
        %dma_wait3A = tpu.memref_slice %arg5[%multiple_of3A_56] : memref<160000xi32, #tpu.memory_space<hbm>> -> memref<400xi32, #tpu.memory_space<hbm>>
        %dma_wait3A_73 = tpu.memref_slice %arg5[%multiple_of3A_56] : memref<160000xi32, #tpu.memory_space<hbm>> -> memref<400xi32, #tpu.memory_space<hbm>>
        tpu.wait_dma2 semaphore(%run_scoped3A : memref<!tpu.dma_semaphore, #tpu.memory_space<semaphore_mem>>) src(%dma_wait3A_73 : memref<400xi32, #tpu.memory_space<hbm>>) dst(%arg12 : memref<400xi32, #tpu.memory_space<vmem>>)
        tpu.yield
      }) : () -> ()
      %multiple_of3A_57 = tpu.assume_multiple %add3A_55, 8 : i32
      "tpu.region"() ({
        %run_scoped3A = tpu.sem_alloc : memref<!tpu.dma_semaphore, #tpu.memory_space<semaphore_mem>>
        %dma_start3A = tpu.memref_slice %arg6[%multiple_of3A_57] : memref<160000xi32, #tpu.memory_space<hbm>> -> memref<400xi32, #tpu.memory_space<hbm>>
        %dma_start3A_72 = tpu.memref_slice %arg6[%multiple_of3A_57] : memref<160000xi32, #tpu.memory_space<hbm>> -> memref<400xi32, #tpu.memory_space<hbm>>
        tpu.enqueue_dma source(%dma_start3A_72 : memref<400xi32, #tpu.memory_space<hbm>>) target(%arg13 : memref<400xi32, #tpu.memory_space<vmem>>) target_semaphore(%run_scoped3A : memref<!tpu.dma_semaphore, #tpu.memory_space<semaphore_mem>>)
        %dma_wait3A = tpu.memref_slice %arg6[%multiple_of3A_57] : memref<160000xi32, #tpu.memory_space<hbm>> -> memref<400xi32, #tpu.memory_space<hbm>>
        %dma_wait3A_73 = tpu.memref_slice %arg6[%multiple_of3A_57] : memref<160000xi32, #tpu.memory_space<hbm>> -> memref<400xi32, #tpu.memory_space<hbm>>
        tpu.wait_dma2 semaphore(%run_scoped3A : memref<!tpu.dma_semaphore, #tpu.memory_space<semaphore_mem>>) src(%dma_wait3A_73 : memref<400xi32, #tpu.memory_space<hbm>>) dst(%arg13 : memref<400xi32, #tpu.memory_space<vmem>>)
        tpu.yield
      }) : () -> ()
      %scan3A_58 = arith.constant 0 : i32
      %scan3A_59 = arith.constant 0 : i32
      %scan3A_60 = arith.constant 50 : i32
      %scan3A_61 = arith.addi %scan3A_59, %scan3A_60 : i32
      %scan3A_62 = arith.constant 1 : i32
      %scan3A_63 = scf.for %scan3A_72 = %scan3A_59 to %scan3A_61 step %scan3A_62 iter_args(%scan3A_73 = %scan3A_58) -> (i32)  : i32 {
        %iota3A = tpu.iota {dimensions = array<i32: 0>} : vector<16xi32>
        %shift_right_arithmetic3A_74 = arith.constant 1 : i32
        %shift_right_arithmetic3A_75 = vector.broadcast %shift_right_arithmetic3A_74 : i32 to vector<16xi32>
        %shift_right_arithmetic3A_76 = arith.shrsi %iota3A, %shift_right_arithmetic3A_75 : vector<16xi32>
        %iota3A_77 = tpu.iota {dimensions = array<i32: 0>} : vector<16xi32>
        %and3A_78 = arith.constant 1 : i32
        %and3A_79 = vector.broadcast %and3A_78 : i32 to vector<16xi32>
        %and3A_80 = arith.andi %iota3A_77, %and3A_79 : vector<16xi32>
        %gather3A = tpu.vector_load_idx %arg10[%and3A_80] : memref<128xf32, #tpu.memory_space<vmem>>[vector<16xi32>], vector<16xf32>,
        %mul3A_81 = arith.constant 8 : i32
        %mul3A_82 = arith.muli %scan3A_72, %mul3A_81 : i32
        %add3A_83 = vector.broadcast %mul3A_82 : i32 to vector<16xi32>
        %add3A_84 = arith.addi %shift_right_arithmetic3A_76, %add3A_83 : vector<16xi32>
        %gather3A_85 = tpu.vector_load_idx %arg12[%add3A_84] : memref<400xi32, #tpu.memory_space<vmem>>[vector<16xi32>], vector<16xi32>,
        %mul3A_86 = arith.constant 2 : i32
        %mul3A_87 = vector.broadcast %mul3A_86 : i32 to vector<16xi32>
        %mul3A_88 = arith.muli %gather3A_85, %mul3A_87 : vector<16xi32>
        %add3A_89 = arith.addi %mul3A_88, %and3A_80 : vector<16xi32>
        %add3A_90 = vector.broadcast %mul3A_82 : i32 to vector<16xi32>
        %add3A_91 = arith.addi %shift_right_arithmetic3A_76, %add3A_90 : vector<16xi32>
        %gather3A_92 = tpu.vector_load_idx %arg13[%add3A_91] : memref<400xi32, #tpu.memory_space<vmem>>[vector<16xi32>], vector<16xi32>,
        %mul3A_93 = arith.constant 2 : i32
        %mul3A_94 = vector.broadcast %mul3A_93 : i32 to vector<16xi32>
        %mul3A_95 = arith.muli %gather3A_92, %mul3A_94 : vector<16xi32>
        %add3A_96 = arith.addi %mul3A_95, %and3A_80 : vector<16xi32>
        %gather3A_97 = tpu.vector_load_idx %arg8[%add3A_89] : memref<20000xf32, #tpu.memory_space<vmem>>[vector<16xi32>], vector<16xf32>,
        %gather3A_98 = tpu.vector_load_idx %arg9[%add3A_96] : memref<20000xf32, #tpu.memory_space<vmem>>[vector<16xi32>], vector<16xf32>,
        %add3A_99 = arith.addf %gather3A_97, %gather3A_98 : vector<16xf32>
        %ge3A = arith.constant 0.000000e+00 : f32
        %ge3A_100 = vector.broadcast %ge3A : f32 to vector<16xf32>
        %ge3A_101 = arith.cmpf oge, %add3A_99, %ge3A_100 : vector<16xf32>
        %mul3A_102 = arith.constant 2.000000e-01 : f32
        %mul3A_103 = vector.broadcast %mul3A_102 : f32 to vector<16xf32>
        %mul3A_104 = arith.mulf %mul3A_103, %add3A_99 : vector<16xf32>
        %select_n3A = arith.select %ge3A_101, %add3A_99, %mul3A_104 : vector<16xi1>, vector<16xf32>
        %add3A_105 = arith.addf %gather3A, %gather3A_98 : vector<16xf32>
        %ge3A_106 = arith.constant 0.000000e+00 : f32
        %ge3A_107 = vector.broadcast %ge3A_106 : f32 to vector<16xf32>
        %ge3A_108 = arith.cmpf oge, %add3A_105, %ge3A_107 : vector<16xf32>
        %mul3A_109 = arith.constant 2.000000e-01 : f32
        %mul3A_110 = vector.broadcast %mul3A_109 : f32 to vector<16xf32>
        %mul3A_111 = arith.mulf %mul3A_110, %add3A_105 : vector<16xf32>
        %select_n3A_112 = arith.select %ge3A_108, %add3A_105, %mul3A_111 : vector<16xi1>, vector<16xf32>
        %sub3A = arith.subf %select_n3A, %select_n3A_112 : vector<16xf32>
        %exp3A = math.exp %sub3A : vector<16xf32>
        %mul3A_113 = arith.constant 16 : i32
        %mul3A_114 = arith.muli %scan3A_72, %mul3A_113 : i32
        %swap3A = arith.index_cast %mul3A_114 : i32 to index
        %swap3A_115 = tpu.vector_load %arg14[%swap3A] {strides = array<i32>} : memref<800xf32, #tpu.memory_space<vmem>>, vector<16xf32>,
        tpu.vector_store %arg14[%swap3A], %exp3A {strides = array<i32>} : memref<800xf32, #tpu.memory_space<vmem>>, vector<16xf32>,
        %eq3A = arith.constant 0 : i32
        %eq3A_116 = vector.broadcast %eq3A : i32 to vector<16xi32>
        %eq3A_117 = arith.cmpi eq, %shift_right_arithmetic3A_76, %eq3A_116 : vector<16xi32>
        tpu.vector_store_idx %arg11[%add3A_96], %exp3A masked %eq3A_117 {add = true} : memref<20480xf32, #tpu.memory_space<vmem>>[vector<16xi32>], vector<16xf32>, vector<16xi1>
        %eq3A_118 = arith.constant 1 : i32
        %eq3A_119 = vector.broadcast %eq3A_118 : i32 to vector<16xi32>
        %eq3A_120 = arith.cmpi eq, %shift_right_arithmetic3A_76, %eq3A_119 : vector<16xi32>
        tpu.vector_store_idx %arg11[%add3A_96], %exp3A masked %eq3A_120 {add = true} : memref<20480xf32, #tpu.memory_space<vmem>>[vector<16xi32>], vector<16xf32>, vector<16xi1>
        %eq3A_121 = arith.constant 2 : i32
        %eq3A_122 = vector.broadcast %eq3A_121 : i32 to vector<16xi32>
        %eq3A_123 = arith.cmpi eq, %shift_right_arithmetic3A_76, %eq3A_122 : vector<16xi32>
        tpu.vector_store_idx %arg11[%add3A_96], %exp3A masked %eq3A_123 {add = true} : memref<20480xf32, #tpu.memory_space<vmem>>[vector<16xi32>], vector<16xf32>, vector<16xi1>
        %eq3A_124 = arith.constant 3 : i32
        %eq3A_125 = vector.broadcast %eq3A_124 : i32 to vector<16xi32>
        %eq3A_126 = arith.cmpi eq, %shift_right_arithmetic3A_76, %eq3A_125 : vector<16xi32>
        tpu.vector_store_idx %arg11[%add3A_96], %exp3A masked %eq3A_126 {add = true} : memref<20480xf32, #tpu.memory_space<vmem>>[vector<16xi32>], vector<16xf32>, vector<16xi1>
        %eq3A_127 = arith.constant 4 : i32
        %eq3A_128 = vector.broadcast %eq3A_127 : i32 to vector<16xi32>
        %eq3A_129 = arith.cmpi eq, %shift_right_arithmetic3A_76, %eq3A_128 : vector<16xi32>
        tpu.vector_store_idx %arg11[%add3A_96], %exp3A masked %eq3A_129 {add = true} : memref<20480xf32, #tpu.memory_space<vmem>>[vector<16xi32>], vector<16xf32>, vector<16xi1>
        %eq3A_130 = arith.constant 5 : i32
        %eq3A_131 = vector.broadcast %eq3A_130 : i32 to vector<16xi32>
        %eq3A_132 = arith.cmpi eq, %shift_right_arithmetic3A_76, %eq3A_131 : vector<16xi32>
        tpu.vector_store_idx %arg11[%add3A_96], %exp3A masked %eq3A_132 {add = true} : memref<20480xf32, #tpu.memory_space<vmem>>[vector<16xi32>], vector<16xf32>, vector<16xi1>
        %eq3A_133 = arith.constant 6 : i32
        %eq3A_134 = vector.broadcast %eq3A_133 : i32 to vector<16xi32>
        %eq3A_135 = arith.cmpi eq, %shift_right_arithmetic3A_76, %eq3A_134 : vector<16xi32>
        tpu.vector_store_idx %arg11[%add3A_96], %exp3A masked %eq3A_135 {add = true} : memref<20480xf32, #tpu.memory_space<vmem>>[vector<16xi32>], vector<16xf32>, vector<16xi1>
        %eq3A_136 = arith.constant 7 : i32
        %eq3A_137 = vector.broadcast %eq3A_136 : i32 to vector<16xi32>
        %eq3A_138 = arith.cmpi eq, %shift_right_arithmetic3A_76, %eq3A_137 : vector<16xi32>
        tpu.vector_store_idx %arg11[%add3A_96], %exp3A masked %eq3A_138 {add = true} : memref<20480xf32, #tpu.memory_space<vmem>>[vector<16xi32>], vector<16xf32>, vector<16xi1>
        %scan3A_139 = arith.constant 0 : i32
        scf.yield %scan3A_139 : i32
      }
      %scan3A_64 = arith.constant 50 : i32
      %mul3A_65 = arith.constant 320000 : i32
      %mul3A_66 = arith.muli %add3A, %mul3A_65 : i32
      %mul3A_67 = arith.constant 2 : i32
      %mul3A_68 = arith.muli %add3A_55, %mul3A_67 : i32
      %add3A_69 = arith.addi %mul3A_66, %mul3A_68 : i32
      %multiple_of3A_70 = tpu.assume_multiple %add3A_69, 8 : i32
      "tpu.region"() ({
        %run_scoped3A = tpu.sem_alloc : memref<!tpu.dma_semaphore, #tpu.memory_space<semaphore_mem>>
        %dma_start3A = tpu.memref_slice %arg7[%multiple_of3A_70] : memref<1280000xf32, #tpu.memory_space<hbm>> -> memref<800xf32, #tpu.memory_space<hbm>>
        %dma_start3A_72 = tpu.memref_slice %arg7[%multiple_of3A_70] : memref<1280000xf32, #tpu.memory_space<hbm>> -> memref<800xf32, #tpu.memory_space<hbm>>
        tpu.enqueue_dma source(%arg14 : memref<800xf32, #tpu.memory_space<vmem>>) target(%dma_start3A_72 : memref<800xf32, #tpu.memory_space<hbm>>) target_semaphore(%run_scoped3A : memref<!tpu.dma_semaphore, #tpu.memory_space<semaphore_mem>>)
        %dma_wait3A = tpu.memref_slice %arg7[%multiple_of3A_70] : memref<1280000xf32, #tpu.memory_space<hbm>> -> memref<800xf32, #tpu.memory_space<hbm>>
        %dma_wait3A_73 = tpu.memref_slice %arg7[%multiple_of3A_70] : memref<1280000xf32, #tpu.memory_space<hbm>> -> memref<800xf32, #tpu.memory_space<hbm>>
        tpu.wait_dma2 semaphore(%run_scoped3A : memref<!tpu.dma_semaphore, #tpu.memory_space<semaphore_mem>>) src(%arg14 : memref<800xf32, #tpu.memory_space<vmem>>) dst(%dma_wait3A_73 : memref<800xf32, #tpu.memory_space<hbm>>)
        tpu.yield
      }) : () -> ()
      %scan3A_71 = arith.constant 0 : i32
      scf.yield %scan3A_71 : i32
    }
    %scan3A_15 = arith.constant 50 : i32
    "tpu.region"() ({
      %run_scoped3A = tpu.sem_alloc : memref<!tpu.dma_semaphore, #tpu.memory_space<semaphore_mem>>
      %dma_start3A = arith.constant 0 : i32
      %dma_start3A_49 = tpu.memref_slice %arg17[%arg1, %dma_start3A] : memref<16x20480xf32, #tpu.memory_space<vmem_shared>> -> memref<1x20480xf32, #tpu.memory_space<vmem_shared>>
      %dma_start3A_50 = tpu.memref_squeeze %dma_start3A_49 : memref<1x20480xf32, #tpu.memory_space<vmem_shared>> -> memref<20480xf32, #tpu.memory_space<vmem_shared>>
      %dma_start3A_51 = arith.constant 0 : i32
      %dma_start3A_52 = tpu.memref_slice %arg17[%arg1, %dma_start3A_51] : memref<16x20480xf32, #tpu.memory_space<vmem_shared>> -> memref<1x20480xf32, #tpu.memory_space<vmem_shared>>
      %dma_start3A_53 = tpu.memref_squeeze %dma_start3A_52 : memref<1x20480xf32, #tpu.memory_space<vmem_shared>> -> memref<20480xf32, #tpu.memory_space<vmem_shared>>
      tpu.enqueue_dma source(%arg11 : memref<20480xf32, #tpu.memory_space<vmem>>) target(%dma_start3A_53 : memref<20480xf32, #tpu.memory_space<vmem_shared>>) target_semaphore(%run_scoped3A : memref<!tpu.dma_semaphore, #tpu.memory_space<semaphore_mem>>)
      %dma_wait3A = arith.constant 0 : i32
      %dma_wait3A_54 = tpu.memref_slice %arg17[%arg1, %dma_wait3A] : memref<16x20480xf32, #tpu.memory_space<vmem_shared>> -> memref<1x20480xf32, #tpu.memory_space<vmem_shared>>
      %dma_wait3A_55 = tpu.memref_squeeze %dma_wait3A_54 : memref<1x20480xf32, #tpu.memory_space<vmem_shared>> -> memref<20480xf32, #tpu.memory_space<vmem_shared>>
      %dma_wait3A_56 = arith.constant 0 : i32
      %dma_wait3A_57 = tpu.memref_slice %arg17[%arg1, %dma_wait3A_56] : memref<16x20480xf32, #tpu.memory_space<vmem_shared>> -> memref<1x20480xf32, #tpu.memory_space<vmem_shared>>
      %dma_wait3A_58 = tpu.memref_squeeze %dma_wait3A_57 : memref<1x20480xf32, #tpu.memory_space<vmem_shared>> -> memref<20480xf32, #tpu.memory_space<vmem_shared>>
      tpu.wait_dma2 semaphore(%run_scoped3A : memref<!tpu.dma_semaphore, #tpu.memory_space<semaphore_mem>>) src(%arg11 : memref<20480xf32, #tpu.memory_space<vmem>>) dst(%dma_wait3A_58 : memref<20480xf32, #tpu.memory_space<vmem_shared>>)
      tpu.yield
    }) : () -> ()
    %barrier3A = arith.constant 0 : index
    tpu.barrier barrier_id(%barrier3A)
    %mul3A_16 = arith.constant 8 : i32
    %mul3A_17 = arith.muli %shift_right_arithmetic3A_0, %mul3A_16 : i32
    %mul3A_18 = arith.constant 2560 : i32
    %mul3A_19 = arith.muli %and3A_1, %mul3A_18 : i32
    %multiple_of3A = tpu.assume_multiple %mul3A_19, 8 : i32
    "tpu.region"() ({
      %run_scoped3A = tpu.sem_alloc : memref<!tpu.dma_semaphore, #tpu.memory_space<semaphore_mem>>
      %dma_start3A = tpu.memref_slice %arg17[%mul3A_17, %multiple_of3A] : memref<16x20480xf32, #tpu.memory_space<vmem_shared>> -> memref<1x2560xf32, #tpu.memory_space<vmem_shared>>
      %dma_start3A_49 = tpu.memref_squeeze %dma_start3A : memref<1x2560xf32, #tpu.memory_space<vmem_shared>> -> memref<2560xf32, #tpu.memory_space<vmem_shared>>
      %dma_start3A_50 = tpu.memref_slice %arg17[%mul3A_17, %multiple_of3A] : memref<16x20480xf32, #tpu.memory_space<vmem_shared>> -> memref<1x2560xf32, #tpu.memory_space<vmem_shared>>
      %dma_start3A_51 = tpu.memref_squeeze %dma_start3A_50 : memref<1x2560xf32, #tpu.memory_space<vmem_shared>> -> memref<2560xf32, #tpu.memory_space<vmem_shared>>
      tpu.enqueue_dma source(%dma_start3A_51 : memref<2560xf32, #tpu.memory_space<vmem_shared>>) target(%arg16 : memref<2560xf32, #tpu.memory_space<vmem>>) target_semaphore(%run_scoped3A : memref<!tpu.dma_semaphore, #tpu.memory_space<semaphore_mem>>)
      %dma_wait3A = tpu.memref_slice %arg17[%mul3A_17, %multiple_of3A] : memref<16x20480xf32, #tpu.memory_space<vmem_shared>> -> memref<1x2560xf32, #tpu.memory_space<vmem_shared>>
      %dma_wait3A_52 = tpu.memref_squeeze %dma_wait3A : memref<1x2560xf32, #tpu.memory_space<vmem_shared>> -> memref<2560xf32, #tpu.memory_space<vmem_shared>>
      %dma_wait3A_53 = tpu.memref_slice %arg17[%mul3A_17, %multiple_of3A] : memref<16x20480xf32, #tpu.memory_space<vmem_shared>> -> memref<1x2560xf32, #tpu.memory_space<vmem_shared>>
      %dma_wait3A_54 = tpu.memref_squeeze %dma_wait3A_53 : memref<1x2560xf32, #tpu.memory_space<vmem_shared>> -> memref<2560xf32, #tpu.memory_space<vmem_shared>>
      tpu.wait_dma2 semaphore(%run_scoped3A : memref<!tpu.dma_semaphore, #tpu.memory_space<semaphore_mem>>) src(%dma_wait3A_54 : memref<2560xf32, #tpu.memory_space<vmem_shared>>) dst(%arg16 : memref<2560xf32, #tpu.memory_space<vmem>>)
      tpu.yield
    }) : () -> ()
    %add3A_20 = arith.constant 1 : i32
    %add3A_21 = arith.addi %mul3A_17, %add3A_20 : i32
    %add3A_22 = arith.constant 8 : i32
    %add3A_23 = arith.addi %mul3A_17, %add3A_22 : i32
    %while3A = arith.constant 0 : i32
    %while3A_24 = arith.subi %add3A_23, %add3A_21 : i32
    %while3A_25 = arith.addi %add3A_21, %while3A_24 : i32
    %while3A_26 = arith.constant 1 : i32
    %while3A_27 = arith.divsi %while3A_24, %while3A_26 : i32
    %while3A_28 = arith.muli %while3A_27, %while3A_26 : i32
    %while3A_29 = arith.addi %add3A_21, %while3A_28 : i32
    %while3A_30 = arith.constant 1 : i32
    %while3A_31 = scf.for %while3A_49 = %add3A_21 to %while3A_29 step %while3A_30 iter_args(%while3A_50 = %while3A) -> (i32)  : i32 {
      "tpu.region"() ({
        %run_scoped3A = tpu.sem_alloc : memref<!tpu.dma_semaphore, #tpu.memory_space<semaphore_mem>>
        %dma_start3A = tpu.memref_slice %arg17[%while3A_49, %multiple_of3A] : memref<16x20480xf32, #tpu.memory_space<vmem_shared>> -> memref<1x2560xf32, #tpu.memory_space<vmem_shared>>
        %dma_start3A_59 = tpu.memref_squeeze %dma_start3A : memref<1x2560xf32, #tpu.memory_space<vmem_shared>> -> memref<2560xf32, #tpu.memory_space<vmem_shared>>
        %dma_start3A_60 = tpu.memref_slice %arg17[%while3A_49, %multiple_of3A] : memref<16x20480xf32, #tpu.memory_space<vmem_shared>> -> memref<1x2560xf32, #tpu.memory_space<vmem_shared>>
        %dma_start3A_61 = tpu.memref_squeeze %dma_start3A_60 : memref<1x2560xf32, #tpu.memory_space<vmem_shared>> -> memref<2560xf32, #tpu.memory_space<vmem_shared>>
        tpu.enqueue_dma source(%dma_start3A_61 : memref<2560xf32, #tpu.memory_space<vmem_shared>>) target(%arg15 : memref<2560xf32, #tpu.memory_space<vmem>>) target_semaphore(%run_scoped3A : memref<!tpu.dma_semaphore, #tpu.memory_space<semaphore_mem>>)
        %dma_wait3A = tpu.memref_slice %arg17[%while3A_49, %multiple_of3A] : memref<16x20480xf32, #tpu.memory_space<vmem_shared>> -> memref<1x2560xf32, #tpu.memory_space<vmem_shared>>
        %dma_wait3A_62 = tpu.memref_squeeze %dma_wait3A : memref<1x2560xf32, #tpu.memory_space<vmem_shared>> -> memref<2560xf32, #tpu.memory_space<vmem_shared>>
        %dma_wait3A_63 = tpu.memref_slice %arg17[%while3A_49, %multiple_of3A] : memref<16x20480xf32, #tpu.memory_space<vmem_shared>> -> memref<1x2560xf32, #tpu.memory_space<vmem_shared>>
        %dma_wait3A_64 = tpu.memref_squeeze %dma_wait3A_63 : memref<1x2560xf32, #tpu.memory_space<vmem_shared>> -> memref<2560xf32, #tpu.memory_space<vmem_shared>>
        tpu.wait_dma2 semaphore(%run_scoped3A : memref<!tpu.dma_semaphore, #tpu.memory_space<semaphore_mem>>) src(%dma_wait3A_64 : memref<2560xf32, #tpu.memory_space<vmem_shared>>) dst(%arg15 : memref<2560xf32, #tpu.memory_space<vmem>>)
        tpu.yield
      }) : () -> ()
      %scan3A_51 = arith.constant 0 : i32
      %scan3A_52 = arith.constant 0 : i32
      %scan3A_53 = arith.constant 160 : i32
      %scan3A_54 = arith.addi %scan3A_52, %scan3A_53 : i32
      %scan3A_55 = arith.constant 1 : i32
      %scan3A_56 = scf.for %scan3A_59 = %scan3A_52 to %scan3A_54 step %scan3A_55 iter_args(%scan3A_60 = %scan3A_51) -> (i32)  : i32 {
        %mul3A_61 = arith.constant 16 : i32
        %mul3A_62 = arith.muli %scan3A_59, %mul3A_61 : i32
        %get3A = arith.index_cast %mul3A_62 : i32 to index
        %get3A_63 = tpu.vector_load %arg16[%get3A] {strides = array<i32>} : memref<2560xf32, #tpu.memory_space<vmem>>, vector<16xf32>,
        %get3A_64 = arith.index_cast %mul3A_62 : i32 to index
        %get3A_65 = tpu.vector_load %arg15[%get3A_64] {strides = array<i32>} : memref<2560xf32, #tpu.memory_space<vmem>>, vector<16xf32>,
        %add3A_66 = arith.addf %get3A_63, %get3A_65 : vector<16xf32>
        %swap3A = arith.index_cast %mul3A_62 : i32 to index
        %swap3A_67 = tpu.vector_load %arg16[%swap3A] {strides = array<i32>} : memref<2560xf32, #tpu.memory_space<vmem>>, vector<16xf32>,
        tpu.vector_store %arg16[%swap3A], %add3A_66 {strides = array<i32>} : memref<2560xf32, #tpu.memory_space<vmem>>, vector<16xf32>,
        %scan3A_68 = arith.constant 0 : i32
        scf.yield %scan3A_68 : i32
      }
      %scan3A_57 = arith.constant 160 : i32
      %while3A_58 = arith.constant 0 : i32
      scf.yield %while3A_58 : i32
    }
    %while3A_32 = arith.constant 1 : i32
    %while3A_33 = scf.for %while3A_49 = %while3A_29 to %while3A_25 step %while3A_32 iter_args(%while3A_50 = %while3A_31) -> (i32)  : i32 {
      "tpu.region"() ({
        %run_scoped3A = tpu.sem_alloc : memref<!tpu.dma_semaphore, #tpu.memory_space<semaphore_mem>>
        %dma_start3A = tpu.memref_slice %arg17[%while3A_49, %multiple_of3A] : memref<16x20480xf32, #tpu.memory_space<vmem_shared>> -> memref<1x2560xf32, #tpu.memory_space<vmem_shared>>
        %dma_start3A_59 = tpu.memref_squeeze %dma_start3A : memref<1x2560xf32, #tpu.memory_space<vmem_shared>> -> memref<2560xf32, #tpu.memory_space<vmem_shared>>
        %dma_start3A_60 = tpu.memref_slice %arg17[%while3A_49, %multiple_of3A] : memref<16x20480xf32, #tpu.memory_space<vmem_shared>> -> memref<1x2560xf32, #tpu.memory_space<vmem_shared>>
        %dma_start3A_61 = tpu.memref_squeeze %dma_start3A_60 : memref<1x2560xf32, #tpu.memory_space<vmem_shared>> -> memref<2560xf32, #tpu.memory_space<vmem_shared>>
        tpu.enqueue_dma source(%dma_start3A_61 : memref<2560xf32, #tpu.memory_space<vmem_shared>>) target(%arg15 : memref<2560xf32, #tpu.memory_space<vmem>>) target_semaphore(%run_scoped3A : memref<!tpu.dma_semaphore, #tpu.memory_space<semaphore_mem>>)
        %dma_wait3A = tpu.memref_slice %arg17[%while3A_49, %multiple_of3A] : memref<16x20480xf32, #tpu.memory_space<vmem_shared>> -> memref<1x2560xf32, #tpu.memory_space<vmem_shared>>
        %dma_wait3A_62 = tpu.memref_squeeze %dma_wait3A : memref<1x2560xf32, #tpu.memory_space<vmem_shared>> -> memref<2560xf32, #tpu.memory_space<vmem_shared>>
        %dma_wait3A_63 = tpu.memref_slice %arg17[%while3A_49, %multiple_of3A] : memref<16x20480xf32, #tpu.memory_space<vmem_shared>> -> memref<1x2560xf32, #tpu.memory_space<vmem_shared>>
        %dma_wait3A_64 = tpu.memref_squeeze %dma_wait3A_63 : memref<1x2560xf32, #tpu.memory_space<vmem_shared>> -> memref<2560xf32, #tpu.memory_space<vmem_shared>>
        tpu.wait_dma2 semaphore(%run_scoped3A : memref<!tpu.dma_semaphore, #tpu.memory_space<semaphore_mem>>) src(%dma_wait3A_64 : memref<2560xf32, #tpu.memory_space<vmem_shared>>) dst(%arg15 : memref<2560xf32, #tpu.memory_space<vmem>>)
        tpu.yield
      }) : () -> ()
      %scan3A_51 = arith.constant 0 : i32
      %scan3A_52 = arith.constant 0 : i32
      %scan3A_53 = arith.constant 160 : i32
      %scan3A_54 = arith.addi %scan3A_52, %scan3A_53 : i32
      %scan3A_55 = arith.constant 1 : i32
      %scan3A_56 = scf.for %scan3A_59 = %scan3A_52 to %scan3A_54 step %scan3A_55 iter_args(%scan3A_60 = %scan3A_51) -> (i32)  : i32 {
        %mul3A_61 = arith.constant 16 : i32
        %mul3A_62 = arith.muli %scan3A_59, %mul3A_61 : i32
        %get3A = arith.index_cast %mul3A_62 : i32 to index
        %get3A_63 = tpu.vector_load %arg16[%get3A] {strides = array<i32>} : memref<2560xf32, #tpu.memory_space<vmem>>, vector<16xf32>,
        %get3A_64 = arith.index_cast %mul3A_62 : i32 to index
        %get3A_65 = tpu.vector_load %arg15[%get3A_64] {strides = array<i32>} : memref<2560xf32, #tpu.memory_space<vmem>>, vector<16xf32>,
        %add3A_66 = arith.addf %get3A_63, %get3A_65 : vector<16xf32>
        %swap3A = arith.index_cast %mul3A_62 : i32 to index
        %swap3A_67 = tpu.vector_load %arg16[%swap3A] {strides = array<i32>} : memref<2560xf32, #tpu.memory_space<vmem>>, vector<16xf32>,
        tpu.vector_store %arg16[%swap3A], %add3A_66 {strides = array<i32>} : memref<2560xf32, #tpu.memory_space<vmem>>, vector<16xf32>,
        %scan3A_68 = arith.constant 0 : i32
        scf.yield %scan3A_68 : i32
      }
      %scan3A_57 = arith.constant 160 : i32
      %while3A_58 = arith.constant 0 : i32
      scf.yield %while3A_58 : i32
    }
    %scan3A_34 = arith.constant 0 : i32
    %scan3A_35 = arith.constant 0 : i32
    %scan3A_36 = arith.constant 160 : i32
    %scan3A_37 = arith.addi %scan3A_35, %scan3A_36 : i32
    %scan3A_38 = arith.constant 1 : i32
    %scan3A_39 = scf.for %scan3A_49 = %scan3A_35 to %scan3A_37 step %scan3A_38 iter_args(%scan3A_50 = %scan3A_34) -> (i32)  : i32 {
      %mul3A_51 = arith.constant 16 : i32
      %mul3A_52 = arith.muli %scan3A_49, %mul3A_51 : i32
      %get3A = arith.index_cast %mul3A_52 : i32 to index
      %get3A_53 = tpu.vector_load %arg16[%get3A] {strides = array<i32>} : memref<2560xf32, #tpu.memory_space<vmem>>, vector<16xf32>,
      %max3A = arith.constant 9.99999971E-10 : f32
      %max3A_54 = vector.broadcast %max3A : f32 to vector<16xf32>
      %max3A_55 = arith.maximumf %get3A_53, %max3A_54 : vector<16xf32>
      %div3A = arith.constant 1.000000e+00 : f32
      %div3A_56 = vector.broadcast %div3A : f32 to vector<16xf32>
      %div3A_57 = arith.divf %div3A_56, %max3A_55 : vector<16xf32>
      %swap3A = arith.index_cast %mul3A_52 : i32 to index
      %swap3A_58 = tpu.vector_load %arg16[%swap3A] {strides = array<i32>} : memref<2560xf32, #tpu.memory_space<vmem>>, vector<16xf32>,
      tpu.vector_store %arg16[%swap3A], %div3A_57 {strides = array<i32>} : memref<2560xf32, #tpu.memory_space<vmem>>, vector<16xf32>,
      %scan3A_59 = arith.constant 0 : i32
      scf.yield %scan3A_59 : i32
    }
    %scan3A_40 = arith.constant 160 : i32
    "tpu.region"() ({
      %run_scoped3A = tpu.sem_alloc : memref<!tpu.dma_semaphore, #tpu.memory_space<semaphore_mem>>
      %dma_start3A = tpu.memref_slice %arg18[%shift_right_arithmetic3A_0, %multiple_of3A] : memref<2x20480xf32, #tpu.memory_space<vmem_shared>> -> memref<1x2560xf32, #tpu.memory_space<vmem_shared>>
      %dma_start3A_49 = tpu.memref_squeeze %dma_start3A : memref<1x2560xf32, #tpu.memory_space<vmem_shared>> -> memref<2560xf32, #tpu.memory_space<vmem_shared>>
      %dma_start3A_50 = tpu.memref_slice %arg18[%shift_right_arithmetic3A_0, %multiple_of3A] : memref<2x20480xf32, #tpu.memory_space<vmem_shared>> -> memref<1x2560xf32, #tpu.memory_space<vmem_shared>>
      %dma_start3A_51 = tpu.memref_squeeze %dma_start3A_50 : memref<1x2560xf32, #tpu.memory_space<vmem_shared>> -> memref<2560xf32, #tpu.memory_space<vmem_shared>>
      tpu.enqueue_dma source(%arg16 : memref<2560xf32, #tpu.memory_space<vmem>>) target(%dma_start3A_51 : memref<2560xf32, #tpu.memory_space<vmem_shared>>) target_semaphore(%run_scoped3A : memref<!tpu.dma_semaphore, #tpu.memory_space<semaphore_mem>>)
      %dma_wait3A = tpu.memref_slice %arg18[%shift_right_arithmetic3A_0, %multiple_of3A] : memref<2x20480xf32, #tpu.memory_space<vmem_shared>> -> memref<1x2560xf32, #tpu.memory_space<vmem_shared>>
      %dma_wait3A_52 = tpu.memref_squeeze %dma_wait3A : memref<1x2560xf32, #tpu.memory_space<vmem_shared>> -> memref<2560xf32, #tpu.memory_space<vmem_shared>>
      %dma_wait3A_53 = tpu.memref_slice %arg18[%shift_right_arithmetic3A_0, %multiple_of3A] : memref<2x20480xf32, #tpu.memory_space<vmem_shared>> -> memref<1x2560xf32, #tpu.memory_space<vmem_shared>>
      %dma_wait3A_54 = tpu.memref_squeeze %dma_wait3A_53 : memref<1x2560xf32, #tpu.memory_space<vmem_shared>> -> memref<2560xf32, #tpu.memory_space<vmem_shared>>
      tpu.wait_dma2 semaphore(%run_scoped3A : memref<!tpu.dma_semaphore, #tpu.memory_space<semaphore_mem>>) src(%arg16 : memref<2560xf32, #tpu.memory_space<vmem>>) dst(%dma_wait3A_54 : memref<2560xf32, #tpu.memory_space<vmem_shared>>)
      tpu.yield
    }) : () -> ()
    %barrier3A_41 = arith.constant 0 : index
    tpu.barrier barrier_id(%barrier3A_41)
    "tpu.region"() ({
      %run_scoped3A = tpu.sem_alloc : memref<!tpu.dma_semaphore, #tpu.memory_space<semaphore_mem>>
      %dma_start3A = arith.constant 0 : i32
      %dma_start3A_49 = tpu.memref_slice %arg18[%shift_right_arithmetic3A_0, %dma_start3A] : memref<2x20480xf32, #tpu.memory_space<vmem_shared>> -> memref<1x20480xf32, #tpu.memory_space<vmem_shared>>
      %dma_start3A_50 = tpu.memref_squeeze %dma_start3A_49 : memref<1x20480xf32, #tpu.memory_space<vmem_shared>> -> memref<20480xf32, #tpu.memory_space<vmem_shared>>
      %dma_start3A_51 = arith.constant 0 : i32
      %dma_start3A_52 = tpu.memref_slice %arg18[%shift_right_arithmetic3A_0, %dma_start3A_51] : memref<2x20480xf32, #tpu.memory_space<vmem_shared>> -> memref<1x20480xf32, #tpu.memory_space<vmem_shared>>
      %dma_start3A_53 = tpu.memref_squeeze %dma_start3A_52 : memref<1x20480xf32, #tpu.memory_space<vmem_shared>> -> memref<20480xf32, #tpu.memory_space<vmem_shared>>
      tpu.enqueue_dma source(%dma_start3A_53 : memref<20480xf32, #tpu.memory_space<vmem_shared>>) target(%arg11 : memref<20480xf32, #tpu.memory_space<vmem>>) target_semaphore(%run_scoped3A : memref<!tpu.dma_semaphore, #tpu.memory_space<semaphore_mem>>)
      %dma_wait3A = arith.constant 0 : i32
      %dma_wait3A_54 = tpu.memref_slice %arg18[%shift_right_arithmetic3A_0, %dma_wait3A] : memref<2x20480xf32, #tpu.memory_space<vmem_shared>> -> memref<1x20480xf32, #tpu.memory_space<vmem_shared>>
      %dma_wait3A_55 = tpu.memref_squeeze %dma_wait3A_54 : memref<1x20480xf32, #tpu.memory_space<vmem_shared>> -> memref<20480xf32, #tpu.memory_space<vmem_shared>>
      %dma_wait3A_56 = arith.constant 0 : i32
      %dma_wait3A_57 = tpu.memref_slice %arg18[%shift_right_arithmetic3A_0, %dma_wait3A_56] : memref<2x20480xf32, #tpu.memory_space<vmem_shared>> -> memref<1x20480xf32, #tpu.memory_space<vmem_shared>>
      %dma_wait3A_58 = tpu.memref_squeeze %dma_wait3A_57 : memref<1x20480xf32, #tpu.memory_space<vmem_shared>> -> memref<20480xf32, #tpu.memory_space<vmem_shared>>
      tpu.wait_dma2 semaphore(%run_scoped3A : memref<!tpu.dma_semaphore, #tpu.memory_space<semaphore_mem>>) src(%dma_wait3A_58 : memref<20480xf32, #tpu.memory_space<vmem_shared>>) dst(%arg11 : memref<20480xf32, #tpu.memory_space<vmem>>)
      tpu.yield
    }) : () -> ()
    %scan3A_42 = arith.constant 0 : i32
    %scan3A_43 = arith.constant 0 : i32
    %scan3A_44 = arith.constant 50 : i32
    %scan3A_45 = arith.addi %scan3A_43, %scan3A_44 : i32
    %scan3A_46 = arith.constant 1 : i32
    %scan3A_47 = scf.for %scan3A_49 = %scan3A_43 to %scan3A_45 step %scan3A_46 iter_args(%scan3A_50 = %scan3A_42) -> (i32)  : i32 {
      %mul3A_51 = arith.constant 20000 : i32
      %mul3A_52 = arith.muli %and3A_1, %mul3A_51 : i32
      %mul3A_53 = arith.constant 400 : i32
      %mul3A_54 = arith.muli %scan3A_49, %mul3A_53 : i32
      %add3A_55 = arith.addi %mul3A_52, %mul3A_54 : i32
      %multiple_of3A_56 = tpu.assume_multiple %add3A_55, 8 : i32
      "tpu.region"() ({
        %run_scoped3A = tpu.sem_alloc : memref<!tpu.dma_semaphore, #tpu.memory_space<semaphore_mem>>
        %dma_start3A = tpu.memref_slice %arg6[%multiple_of3A_56] : memref<160000xi32, #tpu.memory_space<hbm>> -> memref<400xi32, #tpu.memory_space<hbm>>
        %dma_start3A_71 = tpu.memref_slice %arg6[%multiple_of3A_56] : memref<160000xi32, #tpu.memory_space<hbm>> -> memref<400xi32, #tpu.memory_space<hbm>>
        tpu.enqueue_dma source(%dma_start3A_71 : memref<400xi32, #tpu.memory_space<hbm>>) target(%arg13 : memref<400xi32, #tpu.memory_space<vmem>>) target_semaphore(%run_scoped3A : memref<!tpu.dma_semaphore, #tpu.memory_space<semaphore_mem>>)
        %dma_wait3A = tpu.memref_slice %arg6[%multiple_of3A_56] : memref<160000xi32, #tpu.memory_space<hbm>> -> memref<400xi32, #tpu.memory_space<hbm>>
        %dma_wait3A_72 = tpu.memref_slice %arg6[%multiple_of3A_56] : memref<160000xi32, #tpu.memory_space<hbm>> -> memref<400xi32, #tpu.memory_space<hbm>>
        tpu.wait_dma2 semaphore(%run_scoped3A : memref<!tpu.dma_semaphore, #tpu.memory_space<semaphore_mem>>) src(%dma_wait3A_72 : memref<400xi32, #tpu.memory_space<hbm>>) dst(%arg13 : memref<400xi32, #tpu.memory_space<vmem>>)
        tpu.yield
      }) : () -> ()
      %mul3A_57 = arith.constant 320000 : i32
      %mul3A_58 = arith.muli %add3A, %mul3A_57 : i32
      %mul3A_59 = arith.constant 2 : i32
      %mul3A_60 = arith.muli %add3A_55, %mul3A_59 : i32
      %add3A_61 = arith.addi %mul3A_58, %mul3A_60 : i32
      %multiple_of3A_62 = tpu.assume_multiple %add3A_61, 8 : i32
      "tpu.region"() ({
        %run_scoped3A = tpu.sem_alloc : memref<!tpu.dma_semaphore, #tpu.memory_space<semaphore_mem>>
        %dma_start3A = tpu.memref_slice %arg7[%multiple_of3A_62] : memref<1280000xf32, #tpu.memory_space<hbm>> -> memref<800xf32, #tpu.memory_space<hbm>>
        %dma_start3A_71 = tpu.memref_slice %arg7[%multiple_of3A_62] : memref<1280000xf32, #tpu.memory_space<hbm>> -> memref<800xf32, #tpu.memory_space<hbm>>
        tpu.enqueue_dma source(%dma_start3A_71 : memref<800xf32, #tpu.memory_space<hbm>>) target(%arg14 : memref<800xf32, #tpu.memory_space<vmem>>) target_semaphore(%run_scoped3A : memref<!tpu.dma_semaphore, #tpu.memory_space<semaphore_mem>>)
        %dma_wait3A = tpu.memref_slice %arg7[%multiple_of3A_62] : memref<1280000xf32, #tpu.memory_space<hbm>> -> memref<800xf32, #tpu.memory_space<hbm>>
        %dma_wait3A_72 = tpu.memref_slice %arg7[%multiple_of3A_62] : memref<1280000xf32, #tpu.memory_space<hbm>> -> memref<800xf32, #tpu.memory_space<hbm>>
        tpu.wait_dma2 semaphore(%run_scoped3A : memref<!tpu.dma_semaphore, #tpu.memory_space<semaphore_mem>>) src(%dma_wait3A_72 : memref<800xf32, #tpu.memory_space<hbm>>) dst(%arg14 : memref<800xf32, #tpu.memory_space<vmem>>)
        tpu.yield
      }) : () -> ()
      %scan3A_63 = arith.constant 0 : i32
      %scan3A_64 = arith.constant 0 : i32
      %scan3A_65 = arith.constant 50 : i32
      %scan3A_66 = arith.addi %scan3A_64, %scan3A_65 : i32
      %scan3A_67 = arith.constant 1 : i32
      %scan3A_68 = scf.for %scan3A_71 = %scan3A_64 to %scan3A_66 step %scan3A_67 iter_args(%scan3A_72 = %scan3A_63) -> (i32)  : i32 {
        %iota3A = tpu.iota {dimensions = array<i32: 0>} : vector<16xi32>
        %shift_right_arithmetic3A_73 = arith.constant 1 : i32
        %shift_right_arithmetic3A_74 = vector.broadcast %shift_right_arithmetic3A_73 : i32 to vector<16xi32>
        %shift_right_arithmetic3A_75 = arith.shrsi %iota3A, %shift_right_arithmetic3A_74 : vector<16xi32>
        %iota3A_76 = tpu.iota {dimensions = array<i32: 0>} : vector<16xi32>
        %and3A_77 = arith.constant 1 : i32
        %and3A_78 = vector.broadcast %and3A_77 : i32 to vector<16xi32>
        %and3A_79 = arith.andi %iota3A_76, %and3A_78 : vector<16xi32>
        %mul3A_80 = arith.constant 8 : i32
        %mul3A_81 = arith.muli %scan3A_71, %mul3A_80 : i32
        %add3A_82 = vector.broadcast %mul3A_81 : i32 to vector<16xi32>
        %add3A_83 = arith.addi %shift_right_arithmetic3A_75, %add3A_82 : vector<16xi32>
        %gather3A = tpu.vector_load_idx %arg13[%add3A_83] : memref<400xi32, #tpu.memory_space<vmem>>[vector<16xi32>], vector<16xi32>,
        %mul3A_84 = arith.constant 2 : i32
        %mul3A_85 = vector.broadcast %mul3A_84 : i32 to vector<16xi32>
        %mul3A_86 = arith.muli %gather3A, %mul3A_85 : vector<16xi32>
        %add3A_87 = arith.addi %mul3A_86, %and3A_79 : vector<16xi32>
        %gather3A_88 = tpu.vector_load_idx %arg11[%add3A_87] : memref<20480xf32, #tpu.memory_space<vmem>>[vector<16xi32>], vector<16xf32>,
        %mul3A_89 = arith.constant 16 : i32
        %mul3A_90 = arith.muli %scan3A_71, %mul3A_89 : i32
        %get3A = arith.index_cast %mul3A_90 : i32 to index
        %get3A_91 = tpu.vector_load %arg14[%get3A] {strides = array<i32>} : memref<800xf32, #tpu.memory_space<vmem>>, vector<16xf32>,
        %mul3A_92 = arith.mulf %get3A_91, %gather3A_88 : vector<16xf32>
        %swap3A = arith.index_cast %mul3A_90 : i32 to index
        %swap3A_93 = tpu.vector_load %arg14[%swap3A] {strides = array<i32>} : memref<800xf32, #tpu.memory_space<vmem>>, vector<16xf32>,
        tpu.vector_store %arg14[%swap3A], %mul3A_92 {strides = array<i32>} : memref<800xf32, #tpu.memory_space<vmem>>, vector<16xf32>,
        %scan3A_94 = arith.constant 0 : i32
        scf.yield %scan3A_94 : i32
      }
      %scan3A_69 = arith.constant 50 : i32
      "tpu.region"() ({
        %run_scoped3A = tpu.sem_alloc : memref<!tpu.dma_semaphore, #tpu.memory_space<semaphore_mem>>
        %dma_start3A = tpu.memref_slice %arg7[%multiple_of3A_62] : memref<1280000xf32, #tpu.memory_space<hbm>> -> memref<800xf32, #tpu.memory_space<hbm>>
        %dma_start3A_71 = tpu.memref_slice %arg7[%multiple_of3A_62] : memref<1280000xf32, #tpu.memory_space<hbm>> -> memref<800xf32, #tpu.memory_space<hbm>>
        tpu.enqueue_dma source(%arg14 : memref<800xf32, #tpu.memory_space<vmem>>) target(%dma_start3A_71 : memref<800xf32, #tpu.memory_space<hbm>>) target_semaphore(%run_scoped3A : memref<!tpu.dma_semaphore, #tpu.memory_space<semaphore_mem>>)
        %dma_wait3A = tpu.memref_slice %arg7[%multiple_of3A_62] : memref<1280000xf32, #tpu.memory_space<hbm>> -> memref<800xf32, #tpu.memory_space<hbm>>
        %dma_wait3A_72 = tpu.memref_slice %arg7[%multiple_of3A_62] : memref<1280000xf32, #tpu.memory_space<hbm>> -> memref<800xf32, #tpu.memory_space<hbm>>
        tpu.wait_dma2 semaphore(%run_scoped3A : memref<!tpu.dma_semaphore, #tpu.memory_space<semaphore_mem>>) src(%arg14 : memref<800xf32, #tpu.memory_space<vmem>>) dst(%dma_wait3A_72 : memref<800xf32, #tpu.memory_space<hbm>>)
        tpu.yield
      }) : () -> ()
      %scan3A_70 = arith.constant 0 : i32
      scf.yield %scan3A_70 : i32
    }
    %scan3A_48 = arith.constant 50 : i32
    return
  }
}

#map = affine_map<(d0, d1) -> (0, 0)>
#map1 = affine_map<(d0, d1) -> (0)>
#map2 = affine_map<(d0, d1) -> (0, 0, 0)>
module attributes {stable_mosaic.version = 14 : i64} {
  func.func @kern(%arg0: i32, %arg1: i32, %arg2: memref<20000x128xf32, #tpu.memory_space<hbm>>, %arg3: memref<160000xi32, #tpu.memory_space<hbm>>, %arg4: memref<160000xi32, #tpu.memory_space<hbm>>, %arg5: memref<1280000xf32, #tpu.memory_space<hbm>>, %arg6: memref<2x10000x128xf32, #tpu.memory_space<hbm>>, %arg7: memref<80x128xf32, #tpu.memory_space<vmem>>, %arg8: memref<80xi32, #tpu.memory_space<vmem>>, %arg9: memref<80xi32, #tpu.memory_space<vmem>>, %arg10: memref<160xf32, #tpu.memory_space<vmem>>, %arg11: memref<160xf32, #tpu.memory_space<vmem>>, %arg12: memref<10000x128xf32, #tpu.memory_space<vmem_shared>>) attributes {dimension_semantics = [#tpu.dimension_semantics<core_parallel>, #tpu.dimension_semantics<subcore_parallel>], iteration_bounds = array<i64: 2, 16>, scalar_prefetch = 0 : i64, scratch_operands = 6 : i64, tpu.core_type = #tpu.core_type<sc_vector_subcore>, window_params = [{transform_indices = #map}, {transform_indices = #map1}, {transform_indices = #map1}, {transform_indices = #map1}, {transform_indices = #map2}]} {
    %scan3A = arith.constant 0 : i32
    %scan3A_0 = arith.constant 0 : i32
    %scan3A_1 = arith.constant 640 : i32
    %scan3A_2 = arith.addi %scan3A_0, %scan3A_1 : i32
    %scan3A_3 = arith.constant 1 : i32
    %scan3A_4 = scf.for %scan3A_31 = %scan3A_0 to %scan3A_2 step %scan3A_3 iter_args(%scan3A_32 = %scan3A) -> (i32)  : i32 {
      %broadcast_in_dim3A = arith.constant 0.000000e+00 : f32
      %broadcast_in_dim3A_33 = vector.broadcast %broadcast_in_dim3A : f32 to vector<16xf32>
      %shift_right_arithmetic3A = arith.constant 3 : i32
      %shift_right_arithmetic3A_34 = arith.shrsi %scan3A_31, %shift_right_arithmetic3A : i32
      %and3A = arith.constant 7 : i32
      %and3A_35 = arith.andi %scan3A_31, %and3A : i32
      %mul3A_36 = arith.constant 16 : i32
      %mul3A_37 = arith.muli %and3A_35, %mul3A_36 : i32
      %swap3A = arith.index_cast %shift_right_arithmetic3A_34 : i32 to index
      %swap3A_38 = arith.index_cast %mul3A_37 : i32 to index
      %swap3A_39 = tpu.vector_load %arg7[%swap3A, %swap3A_38] {strides = array<i32>} : memref<80x128xf32, #tpu.memory_space<vmem>>, vector<16xf32>,
      tpu.vector_store %arg7[%swap3A, %swap3A_38], %broadcast_in_dim3A_33 {strides = array<i32>} : memref<80x128xf32, #tpu.memory_space<vmem>>, vector<16xf32>,
      %scan3A_40 = arith.constant 0 : i32
      scf.yield %scan3A_40 : i32
    }
    %scan3A_5 = arith.constant 640 : i32
    %mul3A = arith.constant 640 : i32
    %mul3A_6 = arith.muli %arg1, %mul3A : i32
    %lt3A = arith.constant 15 : i32
    %lt3A_7 = arith.cmpi slt, %arg1, %lt3A : i32
    %convert_element_type3A = arith.extui %lt3A_7 : i1 to i32
    %cond3A = arith.constant 0 : i32
    %cond3A_8 = arith.cmpi ne, %convert_element_type3A, %cond3A : i32
    scf.if %cond3A_8 {
      %scan3A_31 = arith.constant 0 : i32
      %scan3A_32 = arith.constant 0 : i32
      %scan3A_33 = arith.constant 8 : i32
      %scan3A_34 = arith.addi %scan3A_32, %scan3A_33 : i32
      %scan3A_35 = arith.constant 1 : i32
      %scan3A_36 = scf.for %scan3A_38 = %scan3A_32 to %scan3A_34 step %scan3A_35 iter_args(%scan3A_39 = %scan3A_31) -> (i32)  : i32 {
        %mul3A_40 = arith.constant 80 : i32
        %mul3A_41 = arith.muli %scan3A_38, %mul3A_40 : i32
        %add3A = arith.addi %mul3A_6, %mul3A_41 : i32
        %multiple_of3A = tpu.assume_multiple %add3A, 8 : i32
        "tpu.region"() ({
          %run_scoped3A = tpu.sem_alloc : memref<!tpu.dma_semaphore, #tpu.memory_space<semaphore_mem>>
          %dma_start3A = arith.constant 0 : i32
          %dma_start3A_43 = tpu.memref_slice %arg12[%multiple_of3A, %dma_start3A] : memref<10000x128xf32, #tpu.memory_space<vmem_shared>> -> memref<80x128xf32, #tpu.memory_space<vmem_shared>>
          %dma_start3A_44 = arith.constant 0 : i32
          %dma_start3A_45 = tpu.memref_slice %arg12[%multiple_of3A, %dma_start3A_44] : memref<10000x128xf32, #tpu.memory_space<vmem_shared>> -> memref<80x128xf32, #tpu.memory_space<vmem_shared>>
          tpu.enqueue_dma source(%arg7 : memref<80x128xf32, #tpu.memory_space<vmem>>) target(%dma_start3A_45 : memref<80x128xf32, #tpu.memory_space<vmem_shared>>) target_semaphore(%run_scoped3A : memref<!tpu.dma_semaphore, #tpu.memory_space<semaphore_mem>>)
          %dma_wait3A = arith.constant 0 : i32
          %dma_wait3A_46 = tpu.memref_slice %arg12[%multiple_of3A, %dma_wait3A] : memref<10000x128xf32, #tpu.memory_space<vmem_shared>> -> memref<80x128xf32, #tpu.memory_space<vmem_shared>>
          %dma_wait3A_47 = arith.constant 0 : i32
          %dma_wait3A_48 = tpu.memref_slice %arg12[%multiple_of3A, %dma_wait3A_47] : memref<10000x128xf32, #tpu.memory_space<vmem_shared>> -> memref<80x128xf32, #tpu.memory_space<vmem_shared>>
          tpu.wait_dma2 semaphore(%run_scoped3A : memref<!tpu.dma_semaphore, #tpu.memory_space<semaphore_mem>>) src(%arg7 : memref<80x128xf32, #tpu.memory_space<vmem>>) dst(%dma_wait3A_48 : memref<80x128xf32, #tpu.memory_space<vmem_shared>>)
          tpu.yield
        }) : () -> ()
        %scan3A_42 = arith.constant 0 : i32
        scf.yield %scan3A_42 : i32
      }
      %scan3A_37 = arith.constant 8 : i32
    } else {
    }
    %eq3A = arith.constant 15 : i32
    %eq3A_9 = arith.cmpi eq, %arg1, %eq3A : i32
    %convert_element_type3A_10 = arith.extui %eq3A_9 : i1 to i32
    %cond3A_11 = arith.constant 0 : i32
    %cond3A_12 = arith.cmpi ne, %convert_element_type3A_10, %cond3A_11 : i32
    scf.if %cond3A_12 {
      %scan3A_31 = arith.constant 0 : i32
      %scan3A_32 = arith.constant 0 : i32
      %scan3A_33 = arith.constant 5 : i32
      %scan3A_34 = arith.addi %scan3A_32, %scan3A_33 : i32
      %scan3A_35 = arith.constant 1 : i32
      %scan3A_36 = scf.for %scan3A_38 = %scan3A_32 to %scan3A_34 step %scan3A_35 iter_args(%scan3A_39 = %scan3A_31) -> (i32)  : i32 {
        %mul3A_40 = arith.constant 80 : i32
        %mul3A_41 = arith.muli %scan3A_38, %mul3A_40 : i32
        %add3A = arith.addi %mul3A_6, %mul3A_41 : i32
        %multiple_of3A = tpu.assume_multiple %add3A, 8 : i32
        "tpu.region"() ({
          %run_scoped3A = tpu.sem_alloc : memref<!tpu.dma_semaphore, #tpu.memory_space<semaphore_mem>>
          %dma_start3A = arith.constant 0 : i32
          %dma_start3A_43 = tpu.memref_slice %arg12[%multiple_of3A, %dma_start3A] : memref<10000x128xf32, #tpu.memory_space<vmem_shared>> -> memref<80x128xf32, #tpu.memory_space<vmem_shared>>
          %dma_start3A_44 = arith.constant 0 : i32
          %dma_start3A_45 = tpu.memref_slice %arg12[%multiple_of3A, %dma_start3A_44] : memref<10000x128xf32, #tpu.memory_space<vmem_shared>> -> memref<80x128xf32, #tpu.memory_space<vmem_shared>>
          tpu.enqueue_dma source(%arg7 : memref<80x128xf32, #tpu.memory_space<vmem>>) target(%dma_start3A_45 : memref<80x128xf32, #tpu.memory_space<vmem_shared>>) target_semaphore(%run_scoped3A : memref<!tpu.dma_semaphore, #tpu.memory_space<semaphore_mem>>)
          %dma_wait3A = arith.constant 0 : i32
          %dma_wait3A_46 = tpu.memref_slice %arg12[%multiple_of3A, %dma_wait3A] : memref<10000x128xf32, #tpu.memory_space<vmem_shared>> -> memref<80x128xf32, #tpu.memory_space<vmem_shared>>
          %dma_wait3A_47 = arith.constant 0 : i32
          %dma_wait3A_48 = tpu.memref_slice %arg12[%multiple_of3A, %dma_wait3A_47] : memref<10000x128xf32, #tpu.memory_space<vmem_shared>> -> memref<80x128xf32, #tpu.memory_space<vmem_shared>>
          tpu.wait_dma2 semaphore(%run_scoped3A : memref<!tpu.dma_semaphore, #tpu.memory_space<semaphore_mem>>) src(%arg7 : memref<80x128xf32, #tpu.memory_space<vmem>>) dst(%dma_wait3A_48 : memref<80x128xf32, #tpu.memory_space<vmem_shared>>)
          tpu.yield
        }) : () -> ()
        %scan3A_42 = arith.constant 0 : i32
        scf.yield %scan3A_42 : i32
      }
      %scan3A_37 = arith.constant 5 : i32
    } else {
    }
    %barrier3A = arith.constant 0 : index
    tpu.barrier barrier_id(%barrier3A)
    %scan3A_13 = arith.constant 0 : i32
    %scan3A_14 = arith.constant 0 : i32
    %scan3A_15 = arith.constant 125 : i32
    %scan3A_16 = arith.addi %scan3A_14, %scan3A_15 : i32
    %scan3A_17 = arith.constant 1 : i32
    %scan3A_18 = scf.for %scan3A_31 = %scan3A_14 to %scan3A_16 step %scan3A_17 iter_args(%scan3A_32 = %scan3A_13) -> (i32)  : i32 {
      %mul3A_33 = arith.constant 10000 : i32
      %mul3A_34 = arith.muli %arg1, %mul3A_33 : i32
      %mul3A_35 = arith.constant 80 : i32
      %mul3A_36 = arith.muli %scan3A_31, %mul3A_35 : i32
      %add3A = arith.addi %mul3A_34, %mul3A_36 : i32
      %multiple_of3A = tpu.assume_multiple %add3A, 8 : i32
      "tpu.region"() ({
        %run_scoped3A = tpu.sem_alloc : memref<!tpu.dma_semaphore, #tpu.memory_space<semaphore_mem>>
        %dma_start3A = tpu.memref_slice %arg3[%multiple_of3A] : memref<160000xi32, #tpu.memory_space<hbm>> -> memref<80xi32, #tpu.memory_space<hbm>>
        %dma_start3A_71 = tpu.memref_slice %arg3[%multiple_of3A] : memref<160000xi32, #tpu.memory_space<hbm>> -> memref<80xi32, #tpu.memory_space<hbm>>
        tpu.enqueue_dma source(%dma_start3A_71 : memref<80xi32, #tpu.memory_space<hbm>>) target(%arg8 : memref<80xi32, #tpu.memory_space<vmem>>) target_semaphore(%run_scoped3A : memref<!tpu.dma_semaphore, #tpu.memory_space<semaphore_mem>>)
        %dma_wait3A = tpu.memref_slice %arg3[%multiple_of3A] : memref<160000xi32, #tpu.memory_space<hbm>> -> memref<80xi32, #tpu.memory_space<hbm>>
        %dma_wait3A_72 = tpu.memref_slice %arg3[%multiple_of3A] : memref<160000xi32, #tpu.memory_space<hbm>> -> memref<80xi32, #tpu.memory_space<hbm>>
        tpu.wait_dma2 semaphore(%run_scoped3A : memref<!tpu.dma_semaphore, #tpu.memory_space<semaphore_mem>>) src(%dma_wait3A_72 : memref<80xi32, #tpu.memory_space<hbm>>) dst(%arg8 : memref<80xi32, #tpu.memory_space<vmem>>)
        tpu.yield
      }) : () -> ()
      %multiple_of3A_37 = tpu.assume_multiple %add3A, 8 : i32
      "tpu.region"() ({
        %run_scoped3A = tpu.sem_alloc : memref<!tpu.dma_semaphore, #tpu.memory_space<semaphore_mem>>
        %dma_start3A = tpu.memref_slice %arg4[%multiple_of3A_37] : memref<160000xi32, #tpu.memory_space<hbm>> -> memref<80xi32, #tpu.memory_space<hbm>>
        %dma_start3A_71 = tpu.memref_slice %arg4[%multiple_of3A_37] : memref<160000xi32, #tpu.memory_space<hbm>> -> memref<80xi32, #tpu.memory_space<hbm>>
        tpu.enqueue_dma source(%dma_start3A_71 : memref<80xi32, #tpu.memory_space<hbm>>) target(%arg9 : memref<80xi32, #tpu.memory_space<vmem>>) target_semaphore(%run_scoped3A : memref<!tpu.dma_semaphore, #tpu.memory_space<semaphore_mem>>)
        %dma_wait3A = tpu.memref_slice %arg4[%multiple_of3A_37] : memref<160000xi32, #tpu.memory_space<hbm>> -> memref<80xi32, #tpu.memory_space<hbm>>
        %dma_wait3A_72 = tpu.memref_slice %arg4[%multiple_of3A_37] : memref<160000xi32, #tpu.memory_space<hbm>> -> memref<80xi32, #tpu.memory_space<hbm>>
        tpu.wait_dma2 semaphore(%run_scoped3A : memref<!tpu.dma_semaphore, #tpu.memory_space<semaphore_mem>>) src(%dma_wait3A_72 : memref<80xi32, #tpu.memory_space<hbm>>) dst(%arg9 : memref<80xi32, #tpu.memory_space<vmem>>)
        tpu.yield
      }) : () -> ()
      %mul3A_38 = arith.constant 2 : i32
      %mul3A_39 = arith.muli %mul3A_38, %arg0 : i32
      %mul3A_40 = arith.constant 320000 : i32
      %mul3A_41 = arith.muli %mul3A_39, %mul3A_40 : i32
      %mul3A_42 = arith.constant 2 : i32
      %mul3A_43 = arith.muli %add3A, %mul3A_42 : i32
      %add3A_44 = arith.addi %mul3A_41, %mul3A_43 : i32
      %multiple_of3A_45 = tpu.assume_multiple %add3A_44, 8 : i32
      "tpu.region"() ({
        %run_scoped3A = tpu.sem_alloc : memref<!tpu.dma_semaphore, #tpu.memory_space<semaphore_mem>>
        %dma_start3A = tpu.memref_slice %arg5[%multiple_of3A_45] : memref<1280000xf32, #tpu.memory_space<hbm>> -> memref<160xf32, #tpu.memory_space<hbm>>
        %dma_start3A_71 = tpu.memref_slice %arg5[%multiple_of3A_45] : memref<1280000xf32, #tpu.memory_space<hbm>> -> memref<160xf32, #tpu.memory_space<hbm>>
        tpu.enqueue_dma source(%dma_start3A_71 : memref<160xf32, #tpu.memory_space<hbm>>) target(%arg10 : memref<160xf32, #tpu.memory_space<vmem>>) target_semaphore(%run_scoped3A : memref<!tpu.dma_semaphore, #tpu.memory_space<semaphore_mem>>)
        %dma_wait3A = tpu.memref_slice %arg5[%multiple_of3A_45] : memref<1280000xf32, #tpu.memory_space<hbm>> -> memref<160xf32, #tpu.memory_space<hbm>>
        %dma_wait3A_72 = tpu.memref_slice %arg5[%multiple_of3A_45] : memref<1280000xf32, #tpu.memory_space<hbm>> -> memref<160xf32, #tpu.memory_space<hbm>>
        tpu.wait_dma2 semaphore(%run_scoped3A : memref<!tpu.dma_semaphore, #tpu.memory_space<semaphore_mem>>) src(%dma_wait3A_72 : memref<160xf32, #tpu.memory_space<hbm>>) dst(%arg10 : memref<160xf32, #tpu.memory_space<vmem>>)
        tpu.yield
      }) : () -> ()
      %mul3A_46 = arith.constant 2 : i32
      %mul3A_47 = arith.muli %mul3A_46, %arg0 : i32
      %add3A_48 = arith.constant 1 : i32
      %add3A_49 = arith.addi %mul3A_47, %add3A_48 : i32
      %mul3A_50 = arith.constant 320000 : i32
      %mul3A_51 = arith.muli %add3A_49, %mul3A_50 : i32
      %mul3A_52 = arith.constant 2 : i32
      %mul3A_53 = arith.muli %add3A, %mul3A_52 : i32
      %add3A_54 = arith.addi %mul3A_51, %mul3A_53 : i32
      %multiple_of3A_55 = tpu.assume_multiple %add3A_54, 8 : i32
      "tpu.region"() ({
        %run_scoped3A = tpu.sem_alloc : memref<!tpu.dma_semaphore, #tpu.memory_space<semaphore_mem>>
        %dma_start3A = tpu.memref_slice %arg5[%multiple_of3A_55] : memref<1280000xf32, #tpu.memory_space<hbm>> -> memref<160xf32, #tpu.memory_space<hbm>>
        %dma_start3A_71 = tpu.memref_slice %arg5[%multiple_of3A_55] : memref<1280000xf32, #tpu.memory_space<hbm>> -> memref<160xf32, #tpu.memory_space<hbm>>
        tpu.enqueue_dma source(%dma_start3A_71 : memref<160xf32, #tpu.memory_space<hbm>>) target(%arg11 : memref<160xf32, #tpu.memory_space<vmem>>) target_semaphore(%run_scoped3A : memref<!tpu.dma_semaphore, #tpu.memory_space<semaphore_mem>>)
        %dma_wait3A = tpu.memref_slice %arg5[%multiple_of3A_55] : memref<1280000xf32, #tpu.memory_space<hbm>> -> memref<160xf32, #tpu.memory_space<hbm>>
        %dma_wait3A_72 = tpu.memref_slice %arg5[%multiple_of3A_55] : memref<1280000xf32, #tpu.memory_space<hbm>> -> memref<160xf32, #tpu.memory_space<hbm>>
        tpu.wait_dma2 semaphore(%run_scoped3A : memref<!tpu.dma_semaphore, #tpu.memory_space<semaphore_mem>>) src(%dma_wait3A_72 : memref<160xf32, #tpu.memory_space<hbm>>) dst(%arg11 : memref<160xf32, #tpu.memory_space<vmem>>)
        tpu.yield
      }) : () -> ()
      %scan3A_56 = arith.constant 0 : i32
      %scan3A_57 = arith.constant 0 : i32
      %scan3A_58 = arith.constant 5 : i32
      %scan3A_59 = arith.addi %scan3A_57, %scan3A_58 : i32
      %scan3A_60 = arith.constant 1 : i32
      %scan3A_61 = scf.for %scan3A_71 = %scan3A_57 to %scan3A_59 step %scan3A_60 iter_args(%scan3A_72 = %scan3A_56) -> (i32)  : i32 {
        %mul3A_73 = arith.constant 16 : i32
        %mul3A_74 = arith.muli %scan3A_71, %mul3A_73 : i32
        %get3A = arith.index_cast %mul3A_74 : i32 to index
        %get3A_75 = tpu.vector_load %arg8[%get3A] {strides = array<i32>} : memref<80xi32, #tpu.memory_space<vmem>>, vector<16xi32>,
        %mul3A_76 = arith.constant 10000 : i32
        %mul3A_77 = arith.muli %arg0, %mul3A_76 : i32
        %add3A_78 = vector.broadcast %mul3A_77 : i32 to vector<16xi32>
        %add3A_79 = arith.addi %get3A_75, %add3A_78 : vector<16xi32>
        %swap3A = arith.index_cast %mul3A_74 : i32 to index
        %swap3A_80 = tpu.vector_load %arg8[%swap3A] {strides = array<i32>} : memref<80xi32, #tpu.memory_space<vmem>>, vector<16xi32>,
        tpu.vector_store %arg8[%swap3A], %add3A_79 {strides = array<i32>} : memref<80xi32, #tpu.memory_space<vmem>>, vector<16xi32>,
        %scan3A_81 = arith.constant 0 : i32
        scf.yield %scan3A_81 : i32
      }
      %scan3A_62 = arith.constant 5 : i32
      "tpu.region"() ({
        %run_scoped3A = tpu.sem_alloc : memref<!tpu.dma_semaphore, #tpu.memory_space<semaphore_mem>>
        %dma_start3A = arith.constant 0 : i32
        %dma_start3A_71 = arith.constant 0 : i32
        %dma_start3A_72 = tpu.memref_slice %arg2[%dma_start3A, %dma_start3A_71] : memref<20000x128xf32, #tpu.memory_space<hbm>> -> memref<20000x128xf32, #tpu.memory_space<hbm>>
        tpu.enqueue_indirect_dma source(%dma_start3A_72 : memref<20000x128xf32, #tpu.memory_space<hbm>>) target(%arg7 : memref<80x128xf32, #tpu.memory_space<vmem>>) offsets(%arg8 : memref<80xi32, #tpu.memory_space<vmem>>) semaphore(%run_scoped3A : memref<!tpu.dma_semaphore, #tpu.memory_space<semaphore_mem>>)
        %dma_wait3A = arith.constant 0 : i32
        %dma_wait3A_73 = arith.constant 0 : i32
        %dma_wait3A_74 = tpu.memref_slice %arg2[%dma_wait3A, %dma_wait3A_73] : memref<20000x128xf32, #tpu.memory_space<hbm>> -> memref<20000x128xf32, #tpu.memory_space<hbm>>
        tpu.wait_indirect_dma semaphore(%run_scoped3A : memref<!tpu.dma_semaphore, #tpu.memory_space<semaphore_mem>>) src(%dma_wait3A_74 : memref<20000x128xf32, #tpu.memory_space<hbm>>) dst(%arg7 : memref<80x128xf32, #tpu.memory_space<vmem>>)
        tpu.yield
      }) : () -> ()
      %scan3A_63 = arith.constant 0 : i32
      %scan3A_64 = arith.constant 0 : i32
      %scan3A_65 = arith.constant 80 : i32
      %scan3A_66 = arith.addi %scan3A_64, %scan3A_65 : i32
      %scan3A_67 = arith.constant 1 : i32
      %scan3A_68 = scf.for %scan3A_71 = %scan3A_64 to %scan3A_66 step %scan3A_67 iter_args(%scan3A_72 = %scan3A_63) -> (i32)  : i32 {
        %broadcast_in_dim3A = arith.constant 0 : i32
        %broadcast_in_dim3A_73 = vector.broadcast %broadcast_in_dim3A : i32 to vector<16xi32>
        %mul3A_74 = arith.constant 2 : i32
        %mul3A_75 = arith.muli %scan3A_71, %mul3A_74 : i32
        %add3A_76 = vector.broadcast %mul3A_75 : i32 to vector<16xi32>
        %add3A_77 = arith.addi %broadcast_in_dim3A_73, %add3A_76 : vector<16xi32>
        %add3A_78 = arith.constant 0 : i32
        %add3A_79 = vector.broadcast %add3A_78 : i32 to vector<16xi32>
        %add3A_80 = arith.addi %add3A_77, %add3A_79 : vector<16xi32>
        %gather3A = tpu.vector_load_idx %arg10[%add3A_80] : memref<160xf32, #tpu.memory_space<vmem>>[vector<16xi32>], vector<16xf32>,
        %get3A = arith.index_cast %scan3A_71 : i32 to index
        %get3A_81 = arith.constant 0 : index
        %get3A_82 = tpu.vector_load %arg7[%get3A, %get3A_81] {strides = array<i32>} : memref<80x128xf32, #tpu.memory_space<vmem>>, vector<16xf32>,
        %mul3A_83 = arith.mulf %get3A_82, %gather3A : vector<16xf32>
        %swap3A = arith.index_cast %scan3A_71 : i32 to index
        %swap3A_84 = arith.constant 0 : index
        %swap3A_85 = tpu.vector_load %arg7[%swap3A, %swap3A_84] {strides = array<i32>} : memref<80x128xf32, #tpu.memory_space<vmem>>, vector<16xf32>,
        tpu.vector_store %arg7[%swap3A, %swap3A_84], %mul3A_83 {strides = array<i32>} : memref<80x128xf32, #tpu.memory_space<vmem>>, vector<16xf32>,
        %get3A_86 = arith.index_cast %scan3A_71 : i32 to index
        %get3A_87 = arith.constant 16 : index
        %get3A_88 = tpu.vector_load %arg7[%get3A_86, %get3A_87] {strides = array<i32>} : memref<80x128xf32, #tpu.memory_space<vmem>>, vector<16xf32>,
        %mul3A_89 = arith.mulf %get3A_88, %gather3A : vector<16xf32>
        %swap3A_90 = arith.index_cast %scan3A_71 : i32 to index
        %swap3A_91 = arith.constant 16 : index
        %swap3A_92 = tpu.vector_load %arg7[%swap3A_90, %swap3A_91] {strides = array<i32>} : memref<80x128xf32, #tpu.memory_space<vmem>>, vector<16xf32>,
        tpu.vector_store %arg7[%swap3A_90, %swap3A_91], %mul3A_89 {strides = array<i32>} : memref<80x128xf32, #tpu.memory_space<vmem>>, vector<16xf32>,
        %broadcast_in_dim3A_93 = arith.constant 0 : i32
        %broadcast_in_dim3A_94 = vector.broadcast %broadcast_in_dim3A_93 : i32 to vector<16xi32>
        %mul3A_95 = arith.constant 2 : i32
        %mul3A_96 = arith.muli %scan3A_71, %mul3A_95 : i32
        %add3A_97 = vector.broadcast %mul3A_96 : i32 to vector<16xi32>
        %add3A_98 = arith.addi %broadcast_in_dim3A_94, %add3A_97 : vector<16xi32>
        %add3A_99 = arith.constant 1 : i32
        %add3A_100 = vector.broadcast %add3A_99 : i32 to vector<16xi32>
        %add3A_101 = arith.addi %add3A_98, %add3A_100 : vector<16xi32>
        %gather3A_102 = tpu.vector_load_idx %arg10[%add3A_101] : memref<160xf32, #tpu.memory_space<vmem>>[vector<16xi32>], vector<16xf32>,
        %get3A_103 = arith.index_cast %scan3A_71 : i32 to index
        %get3A_104 = arith.constant 32 : index
        %get3A_105 = tpu.vector_load %arg7[%get3A_103, %get3A_104] {strides = array<i32>} : memref<80x128xf32, #tpu.memory_space<vmem>>, vector<16xf32>,
        %mul3A_106 = arith.mulf %get3A_105, %gather3A_102 : vector<16xf32>
        %swap3A_107 = arith.index_cast %scan3A_71 : i32 to index
        %swap3A_108 = arith.constant 32 : index
        %swap3A_109 = tpu.vector_load %arg7[%swap3A_107, %swap3A_108] {strides = array<i32>} : memref<80x128xf32, #tpu.memory_space<vmem>>, vector<16xf32>,
        tpu.vector_store %arg7[%swap3A_107, %swap3A_108], %mul3A_106 {strides = array<i32>} : memref<80x128xf32, #tpu.memory_space<vmem>>, vector<16xf32>,
        %get3A_110 = arith.index_cast %scan3A_71 : i32 to index
        %get3A_111 = arith.constant 48 : index
        %get3A_112 = tpu.vector_load %arg7[%get3A_110, %get3A_111] {strides = array<i32>} : memref<80x128xf32, #tpu.memory_space<vmem>>, vector<16xf32>,
        %mul3A_113 = arith.mulf %get3A_112, %gather3A_102 : vector<16xf32>
        %swap3A_114 = arith.index_cast %scan3A_71 : i32 to index
        %swap3A_115 = arith.constant 48 : index
        %swap3A_116 = tpu.vector_load %arg7[%swap3A_114, %swap3A_115] {strides = array<i32>} : memref<80x128xf32, #tpu.memory_space<vmem>>, vector<16xf32>,
        tpu.vector_store %arg7[%swap3A_114, %swap3A_115], %mul3A_113 {strides = array<i32>} : memref<80x128xf32, #tpu.memory_space<vmem>>, vector<16xf32>,
        %broadcast_in_dim3A_117 = arith.constant 0 : i32
        %broadcast_in_dim3A_118 = vector.broadcast %broadcast_in_dim3A_117 : i32 to vector<16xi32>
        %mul3A_119 = arith.constant 2 : i32
        %mul3A_120 = arith.muli %scan3A_71, %mul3A_119 : i32
        %add3A_121 = vector.broadcast %mul3A_120 : i32 to vector<16xi32>
        %add3A_122 = arith.addi %broadcast_in_dim3A_118, %add3A_121 : vector<16xi32>
        %add3A_123 = arith.constant 0 : i32
        %add3A_124 = vector.broadcast %add3A_123 : i32 to vector<16xi32>
        %add3A_125 = arith.addi %add3A_122, %add3A_124 : vector<16xi32>
        %gather3A_126 = tpu.vector_load_idx %arg11[%add3A_125] : memref<160xf32, #tpu.memory_space<vmem>>[vector<16xi32>], vector<16xf32>,
        %get3A_127 = arith.index_cast %scan3A_71 : i32 to index
        %get3A_128 = arith.constant 64 : index
        %get3A_129 = tpu.vector_load %arg7[%get3A_127, %get3A_128] {strides = array<i32>} : memref<80x128xf32, #tpu.memory_space<vmem>>, vector<16xf32>,
        %mul3A_130 = arith.mulf %get3A_129, %gather3A_126 : vector<16xf32>
        %swap3A_131 = arith.index_cast %scan3A_71 : i32 to index
        %swap3A_132 = arith.constant 64 : index
        %swap3A_133 = tpu.vector_load %arg7[%swap3A_131, %swap3A_132] {strides = array<i32>} : memref<80x128xf32, #tpu.memory_space<vmem>>, vector<16xf32>,
        tpu.vector_store %arg7[%swap3A_131, %swap3A_132], %mul3A_130 {strides = array<i32>} : memref<80x128xf32, #tpu.memory_space<vmem>>, vector<16xf32>,
        %get3A_134 = arith.index_cast %scan3A_71 : i32 to index
        %get3A_135 = arith.constant 80 : index
        %get3A_136 = tpu.vector_load %arg7[%get3A_134, %get3A_135] {strides = array<i32>} : memref<80x128xf32, #tpu.memory_space<vmem>>, vector<16xf32>,
        %mul3A_137 = arith.mulf %get3A_136, %gather3A_126 : vector<16xf32>
        %swap3A_138 = arith.index_cast %scan3A_71 : i32 to index
        %swap3A_139 = arith.constant 80 : index
        %swap3A_140 = tpu.vector_load %arg7[%swap3A_138, %swap3A_139] {strides = array<i32>} : memref<80x128xf32, #tpu.memory_space<vmem>>, vector<16xf32>,
        tpu.vector_store %arg7[%swap3A_138, %swap3A_139], %mul3A_137 {strides = array<i32>} : memref<80x128xf32, #tpu.memory_space<vmem>>, vector<16xf32>,
        %broadcast_in_dim3A_141 = arith.constant 0 : i32
        %broadcast_in_dim3A_142 = vector.broadcast %broadcast_in_dim3A_141 : i32 to vector<16xi32>
        %mul3A_143 = arith.constant 2 : i32
        %mul3A_144 = arith.muli %scan3A_71, %mul3A_143 : i32
        %add3A_145 = vector.broadcast %mul3A_144 : i32 to vector<16xi32>
        %add3A_146 = arith.addi %broadcast_in_dim3A_142, %add3A_145 : vector<16xi32>
        %add3A_147 = arith.constant 1 : i32
        %add3A_148 = vector.broadcast %add3A_147 : i32 to vector<16xi32>
        %add3A_149 = arith.addi %add3A_146, %add3A_148 : vector<16xi32>
        %gather3A_150 = tpu.vector_load_idx %arg11[%add3A_149] : memref<160xf32, #tpu.memory_space<vmem>>[vector<16xi32>], vector<16xf32>,
        %get3A_151 = arith.index_cast %scan3A_71 : i32 to index
        %get3A_152 = arith.constant 96 : index
        %get3A_153 = tpu.vector_load %arg7[%get3A_151, %get3A_152] {strides = array<i32>} : memref<80x128xf32, #tpu.memory_space<vmem>>, vector<16xf32>,
        %mul3A_154 = arith.mulf %get3A_153, %gather3A_150 : vector<16xf32>
        %swap3A_155 = arith.index_cast %scan3A_71 : i32 to index
        %swap3A_156 = arith.constant 96 : index
        %swap3A_157 = tpu.vector_load %arg7[%swap3A_155, %swap3A_156] {strides = array<i32>} : memref<80x128xf32, #tpu.memory_space<vmem>>, vector<16xf32>,
        tpu.vector_store %arg7[%swap3A_155, %swap3A_156], %mul3A_154 {strides = array<i32>} : memref<80x128xf32, #tpu.memory_space<vmem>>, vector<16xf32>,
        %get3A_158 = arith.index_cast %scan3A_71 : i32 to index
        %get3A_159 = arith.constant 112 : index
        %get3A_160 = tpu.vector_load %arg7[%get3A_158, %get3A_159] {strides = array<i32>} : memref<80x128xf32, #tpu.memory_space<vmem>>, vector<16xf32>,
        %mul3A_161 = arith.mulf %get3A_160, %gather3A_150 : vector<16xf32>
        %swap3A_162 = arith.index_cast %scan3A_71 : i32 to index
        %swap3A_163 = arith.constant 112 : index
        %swap3A_164 = tpu.vector_load %arg7[%swap3A_162, %swap3A_163] {strides = array<i32>} : memref<80x128xf32, #tpu.memory_space<vmem>>, vector<16xf32>,
        tpu.vector_store %arg7[%swap3A_162, %swap3A_163], %mul3A_161 {strides = array<i32>} : memref<80x128xf32, #tpu.memory_space<vmem>>, vector<16xf32>,
        %scan3A_165 = arith.constant 0 : i32
        scf.yield %scan3A_165 : i32
      }
      %scan3A_69 = arith.constant 80 : i32
      "tpu.region"() ({
        %run_scoped3A = tpu.sem_alloc : memref<!tpu.dma_semaphore, #tpu.memory_space<semaphore_mem>>
        %dma_start3A = arith.constant 0 : i32
        %dma_start3A_71 = arith.constant 0 : i32
        %dma_start3A_72 = tpu.memref_slice %arg12[%dma_start3A, %dma_start3A_71] : memref<10000x128xf32, #tpu.memory_space<vmem_shared>> -> memref<10000x128xf32, #tpu.memory_space<vmem_shared>>
        tpu.enqueue_indirect_dma source(%arg7 : memref<80x128xf32, #tpu.memory_space<vmem>>) target(%dma_start3A_72 : memref<10000x128xf32, #tpu.memory_space<vmem_shared>>) offsets(%arg9 : memref<80xi32, #tpu.memory_space<vmem>>) semaphore(%run_scoped3A : memref<!tpu.dma_semaphore, #tpu.memory_space<semaphore_mem>>) {add = true}
        %dma_wait3A = arith.constant 0 : i32
        %dma_wait3A_73 = arith.constant 0 : i32
        %dma_wait3A_74 = tpu.memref_slice %arg12[%dma_wait3A, %dma_wait3A_73] : memref<10000x128xf32, #tpu.memory_space<vmem_shared>> -> memref<10000x128xf32, #tpu.memory_space<vmem_shared>>
        tpu.wait_indirect_dma semaphore(%run_scoped3A : memref<!tpu.dma_semaphore, #tpu.memory_space<semaphore_mem>>) src(%arg7 : memref<80x128xf32, #tpu.memory_space<vmem>>) dst(%dma_wait3A_74 : memref<10000x128xf32, #tpu.memory_space<vmem_shared>>)
        tpu.yield
      }) : () -> ()
      %scan3A_70 = arith.constant 0 : i32
      scf.yield %scan3A_70 : i32
    }
    %scan3A_19 = arith.constant 125 : i32
    %barrier3A_20 = arith.constant 0 : index
    tpu.barrier barrier_id(%barrier3A_20)
    %lt3A_21 = arith.constant 15 : i32
    %lt3A_22 = arith.cmpi slt, %arg1, %lt3A_21 : i32
    %convert_element_type3A_23 = arith.extui %lt3A_22 : i1 to i32
    %cond3A_24 = arith.constant 0 : i32
    %cond3A_25 = arith.cmpi ne, %convert_element_type3A_23, %cond3A_24 : i32
    scf.if %cond3A_25 {
      %multiple_of3A = tpu.assume_multiple %mul3A_6, 8 : i32
      %multiple_of3A_31 = tpu.assume_multiple %mul3A_6, 8 : i32
      "tpu.region"() ({
        %run_scoped3A = tpu.sem_alloc : memref<!tpu.dma_semaphore, #tpu.memory_space<semaphore_mem>>
        %dma_start3A = arith.constant 0 : i32
        %dma_start3A_32 = tpu.memref_slice %arg6[%arg0, %multiple_of3A_31, %dma_start3A] : memref<2x10000x128xf32, #tpu.memory_space<hbm>> -> memref<1x640x128xf32, #tpu.memory_space<hbm>>
        %dma_start3A_33 = tpu.memref_squeeze %dma_start3A_32 : memref<1x640x128xf32, #tpu.memory_space<hbm>> -> memref<640x128xf32, #tpu.memory_space<hbm>>
        %dma_start3A_34 = arith.constant 0 : i32
        %dma_start3A_35 = tpu.memref_slice %arg12[%multiple_of3A, %dma_start3A_34] : memref<10000x128xf32, #tpu.memory_space<vmem_shared>> -> memref<640x128xf32, #tpu.memory_space<vmem_shared>>
        tpu.enqueue_dma source(%dma_start3A_35 : memref<640x128xf32, #tpu.memory_space<vmem_shared>>) target(%dma_start3A_33 : memref<640x128xf32, #tpu.memory_space<hbm>>) target_semaphore(%run_scoped3A : memref<!tpu.dma_semaphore, #tpu.memory_space<semaphore_mem>>)
        %dma_wait3A = arith.constant 0 : i32
        %dma_wait3A_36 = tpu.memref_slice %arg6[%arg0, %multiple_of3A_31, %dma_wait3A] : memref<2x10000x128xf32, #tpu.memory_space<hbm>> -> memref<1x640x128xf32, #tpu.memory_space<hbm>>
        %dma_wait3A_37 = tpu.memref_squeeze %dma_wait3A_36 : memref<1x640x128xf32, #tpu.memory_space<hbm>> -> memref<640x128xf32, #tpu.memory_space<hbm>>
        %dma_wait3A_38 = arith.constant 0 : i32
        %dma_wait3A_39 = tpu.memref_slice %arg12[%multiple_of3A, %dma_wait3A_38] : memref<10000x128xf32, #tpu.memory_space<vmem_shared>> -> memref<640x128xf32, #tpu.memory_space<vmem_shared>>
        tpu.wait_dma2 semaphore(%run_scoped3A : memref<!tpu.dma_semaphore, #tpu.memory_space<semaphore_mem>>) src(%dma_wait3A_39 : memref<640x128xf32, #tpu.memory_space<vmem_shared>>) dst(%dma_wait3A_37 : memref<640x128xf32, #tpu.memory_space<hbm>>)
        tpu.yield
      }) : () -> ()
    } else {
    }
    %eq3A_26 = arith.constant 15 : i32
    %eq3A_27 = arith.cmpi eq, %arg1, %eq3A_26 : i32
    %convert_element_type3A_28 = arith.extui %eq3A_27 : i1 to i32
    %cond3A_29 = arith.constant 0 : i32
    %cond3A_30 = arith.cmpi ne, %convert_element_type3A_28, %cond3A_29 : i32
    scf.if %cond3A_30 {
      "tpu.region"() ({
        %run_scoped3A = tpu.sem_alloc : memref<!tpu.dma_semaphore, #tpu.memory_space<semaphore_mem>>
        %dma_start3A = arith.constant 9600 : i32
        %dma_start3A_31 = arith.constant 0 : i32
        %dma_start3A_32 = tpu.memref_slice %arg6[%arg0, %dma_start3A, %dma_start3A_31] : memref<2x10000x128xf32, #tpu.memory_space<hbm>> -> memref<1x400x128xf32, #tpu.memory_space<hbm>>
        %dma_start3A_33 = tpu.memref_squeeze %dma_start3A_32 : memref<1x400x128xf32, #tpu.memory_space<hbm>> -> memref<400x128xf32, #tpu.memory_space<hbm>>
        %dma_start3A_34 = arith.constant 9600 : i32
        %dma_start3A_35 = arith.constant 0 : i32
        %dma_start3A_36 = tpu.memref_slice %arg12[%dma_start3A_34, %dma_start3A_35] : memref<10000x128xf32, #tpu.memory_space<vmem_shared>> -> memref<400x128xf32, #tpu.memory_space<vmem_shared>>
        tpu.enqueue_dma source(%dma_start3A_36 : memref<400x128xf32, #tpu.memory_space<vmem_shared>>) target(%dma_start3A_33 : memref<400x128xf32, #tpu.memory_space<hbm>>) target_semaphore(%run_scoped3A : memref<!tpu.dma_semaphore, #tpu.memory_space<semaphore_mem>>)
        %dma_wait3A = arith.constant 9600 : i32
        %dma_wait3A_37 = arith.constant 0 : i32
        %dma_wait3A_38 = tpu.memref_slice %arg6[%arg0, %dma_wait3A, %dma_wait3A_37] : memref<2x10000x128xf32, #tpu.memory_space<hbm>> -> memref<1x400x128xf32, #tpu.memory_space<hbm>>
        %dma_wait3A_39 = tpu.memref_squeeze %dma_wait3A_38 : memref<1x400x128xf32, #tpu.memory_space<hbm>> -> memref<400x128xf32, #tpu.memory_space<hbm>>
        %dma_wait3A_40 = arith.constant 9600 : i32
        %dma_wait3A_41 = arith.constant 0 : i32
        %dma_wait3A_42 = tpu.memref_slice %arg12[%dma_wait3A_40, %dma_wait3A_41] : memref<10000x128xf32, #tpu.memory_space<vmem_shared>> -> memref<400x128xf32, #tpu.memory_space<vmem_shared>>
        tpu.wait_dma2 semaphore(%run_scoped3A : memref<!tpu.dma_semaphore, #tpu.memory_space<semaphore_mem>>) src(%dma_wait3A_42 : memref<400x128xf32, #tpu.memory_space<vmem_shared>>) dst(%dma_wait3A_39 : memref<400x128xf32, #tpu.memory_space<hbm>>)
        tpu.yield
      }) : () -> ()
    } else {
    }
    return
  }
}

module attributes {stable_mosaic.version = 14 : i64} {
  func.func @_pre_body(%arg0: i32, %arg1: memref<2000x256xf32, #tpu.memory_space<vmem>>, %arg2: memref<2000x256xf32, #tpu.memory_space<vmem>>, %arg3: memref<256x256xf32, #tpu.memory_space<vmem>>, %arg4: memref<256x256xf32, #tpu.memory_space<vmem>>, %arg5: memref<8x32xf32, #tpu.memory_space<vmem>>, %arg6: memref<8x32xf32, #tpu.memory_space<vmem>>, %arg7: memref<2x2000x128xf32, #tpu.memory_space<vmem>>, %arg8: memref<4x2000x2xf32, #tpu.memory_space<vmem>>, %arg9: memref<4x2000x2xf32, #tpu.memory_space<vmem>>, %arg10: memref<4x128xf32, #tpu.memory_space<vmem>>) attributes {dimension_semantics = [#tpu.dimension_semantics<arbitrary>], iteration_bounds = array<i64: 5>, scalar_prefetch = 0 : i64, scratch_operands = 0 : i64, tpu.core_type = #tpu.core_type<tc>, window_params = [{transform_indices = @transform_0, window_bounds = array<i64: 2000, 256>}, {transform_indices = @transform_1, window_bounds = array<i64: 2000, 256>}, {pipeline_mode = #tpu.pipeline_mode<synchronous>, transform_indices = @transform_2, window_bounds = array<i64: 256, 256>}, {pipeline_mode = #tpu.pipeline_mode<synchronous>, transform_indices = @transform_3, window_bounds = array<i64: 256, 256>}, {pipeline_mode = #tpu.pipeline_mode<synchronous>, transform_indices = @transform_4, window_bounds = array<i64: 8, 32>}, {pipeline_mode = #tpu.pipeline_mode<synchronous>, transform_indices = @transform_5, window_bounds = array<i64: 8, 32>}, {transform_indices = @transform_6, window_bounds = array<i64: 2, 2000, 128>}, {transform_indices = @transform_7, window_bounds = array<i64: 4, 2000, 2>}, {transform_indices = @transform_8, window_bounds = array<i64: 4, 2000, 2>}, {pipeline_mode = #tpu.pipeline_mode<synchronous>, transform_indices = @transform_9, window_bounds = array<i64: 4, 128>}]} {
    %get3A = arith.constant 0 : index
    %get3A_0 = arith.constant 0 : index
    %get3A_1 = vector.load %arg1[%get3A, %get3A_0] : memref<2000x256xf32, #tpu.memory_space<vmem>>, vector<2000x256xf32>
    %get3A_2 = arith.constant 0 : index
    %get3A_3 = arith.constant 0 : index
    %get3A_4 = vector.load %arg3[%get3A_2, %get3A_3] : memref<256x256xf32, #tpu.memory_space<vmem>>, vector<256x256xf32>
    %dot_general3A = arith.constant dense<0.000000e+00> : vector<2000x256xf32>
    %dot_general3A_5 = tpu.matmul %get3A_1, %get3A_4, %dot_general3A {dimension_numbers = #tpu.dot_dimension_numbers<[1], [0], [0], [1], [0, 0, 1, 1], [], []>, transpose_lhs_hint = false} : vector<2000x256xf32>, vector<256x256xf32>, vector<2000x256xf32> -> vector<2000x256xf32>
    %get3A_6 = arith.constant 0 : index
    %get3A_7 = arith.constant 0 : index
    %get3A_8 = vector.load %arg2[%get3A_6, %get3A_7] : memref<2000x256xf32, #tpu.memory_space<vmem>>, vector<2000x256xf32>
    %get3A_9 = arith.constant 0 : index
    %get3A_10 = arith.constant 0 : index
    %get3A_11 = vector.load %arg4[%get3A_9, %get3A_10] : memref<256x256xf32, #tpu.memory_space<vmem>>, vector<256x256xf32>
    %dot_general3A_12 = arith.constant dense<0.000000e+00> : vector<2000x256xf32>
    %dot_general3A_13 = tpu.matmul %get3A_8, %get3A_11, %dot_general3A_12 {dimension_numbers = #tpu.dot_dimension_numbers<[1], [0], [0], [1], [0, 0, 1, 1], [], []>, transpose_lhs_hint = false} : vector<2000x256xf32>, vector<256x256xf32>, vector<2000x256xf32> -> vector<2000x256xf32>
    %reshape3A = vector.shape_cast %dot_general3A_5 : vector<2000x256xf32> to vector<2000x8x32xf32>
    %get3A_14 = arith.constant 0 : index
    %get3A_15 = arith.constant 0 : index
    %get3A_16 = vector.load %arg5[%get3A_14, %get3A_15] : memref<8x32xf32, #tpu.memory_space<vmem>>, vector<8x32xf32>
    %broadcast_in_dim3A = vector.shape_cast %get3A_16 : vector<8x32xf32> to vector<1x8x32xf32>
    %mul3A = vector.broadcast %broadcast_in_dim3A : vector<1x8x32xf32> to vector<2000x8x32xf32>
    %mul3A_17 = arith.mulf %reshape3A, %mul3A : vector<2000x8x32xf32>
    %reduce_sum3A = arith.constant dense<0.000000e+00> : vector<2000x8xf32>
    %reduce_sum3A_18 = vector.multi_reduction <add>, %mul3A_17, %reduce_sum3A [2] : vector<2000x8x32xf32> to vector<2000x8xf32>
    %reshape3A_19 = vector.shape_cast %dot_general3A_13 : vector<2000x256xf32> to vector<2000x8x32xf32>
    %get3A_20 = arith.constant 0 : index
    %get3A_21 = arith.constant 0 : index
    %get3A_22 = vector.load %arg6[%get3A_20, %get3A_21] : memref<8x32xf32, #tpu.memory_space<vmem>>, vector<8x32xf32>
    %broadcast_in_dim3A_23 = vector.shape_cast %get3A_22 : vector<8x32xf32> to vector<1x8x32xf32>
    %mul3A_24 = vector.broadcast %broadcast_in_dim3A_23 : vector<1x8x32xf32> to vector<2000x8x32xf32>
    %mul3A_25 = arith.mulf %reshape3A_19, %mul3A_24 : vector<2000x8x32xf32>
    %reduce_sum3A_26 = arith.constant dense<0.000000e+00> : vector<2000x8xf32>
    %reduce_sum3A_27 = vector.multi_reduction <add>, %mul3A_25, %reduce_sum3A_26 [2] : vector<2000x8x32xf32> to vector<2000x8xf32>
    %slice3A = vector.extract_strided_slice %dot_general3A_5 {offsets = [0, 0], sizes = [2000, 128], strides = [1, 1]} : vector<2000x256xf32> to vector<2000x128xf32>
    %swap3A = arith.constant 0 : index
    %swap3A_28 = arith.constant 0 : index
    %swap3A_29 = arith.constant 0 : index
    %swap3A_30 = vector.load %arg7[%swap3A, %swap3A_28, %swap3A_29] : memref<2x2000x128xf32, #tpu.memory_space<vmem>>, vector<1x2000x128xf32>
    %swap3A_31 = vector.shape_cast %swap3A_30 : vector<1x2000x128xf32> to vector<2000x128xf32>
    %swap3A_32 = vector.shape_cast %slice3A : vector<2000x128xf32> to vector<1x2000x128xf32>
    tpu.vector_store %arg7[%swap3A, %swap3A_28, %swap3A_29], %swap3A_32 {strides = array<i32>} : memref<2x2000x128xf32, #tpu.memory_space<vmem>>, vector<1x2000x128xf32>,
    %slice3A_33 = vector.extract_strided_slice %dot_general3A_5 {offsets = [0, 128], sizes = [2000, 128], strides = [1, 1]} : vector<2000x256xf32> to vector<2000x128xf32>
    %swap3A_34 = arith.constant 1 : index
    %swap3A_35 = arith.constant 0 : index
    %swap3A_36 = arith.constant 0 : index
    %swap3A_37 = vector.load %arg7[%swap3A_34, %swap3A_35, %swap3A_36] : memref<2x2000x128xf32, #tpu.memory_space<vmem>>, vector<1x2000x128xf32>
    %swap3A_38 = vector.shape_cast %swap3A_37 : vector<1x2000x128xf32> to vector<2000x128xf32>
    %swap3A_39 = vector.shape_cast %slice3A_33 : vector<2000x128xf32> to vector<1x2000x128xf32>
    tpu.vector_store %arg7[%swap3A_34, %swap3A_35, %swap3A_36], %swap3A_39 {strides = array<i32>} : memref<2x2000x128xf32, #tpu.memory_space<vmem>>, vector<1x2000x128xf32>,
    %slice3A_40 = vector.extract_strided_slice %reduce_sum3A_18 {offsets = [0, 0], sizes = [2000, 2], strides = [1, 1]} : vector<2000x8xf32> to vector<2000x2xf32>
    %swap3A_41 = arith.constant 0 : index
    %swap3A_42 = arith.constant 0 : index
    %swap3A_43 = arith.constant 0 : index
    %swap3A_44 = vector.load %arg8[%swap3A_41, %swap3A_42, %swap3A_43] : memref<4x2000x2xf32, #tpu.memory_space<vmem>>, vector<1x2000x2xf32>
    %swap3A_45 = vector.shape_cast %swap3A_44 : vector<1x2000x2xf32> to vector<2000x2xf32>
    %swap3A_46 = vector.shape_cast %slice3A_40 : vector<2000x2xf32> to vector<1x2000x2xf32>
    tpu.vector_store %arg8[%swap3A_41, %swap3A_42, %swap3A_43], %swap3A_46 {strides = array<i32>} : memref<4x2000x2xf32, #tpu.memory_space<vmem>>, vector<1x2000x2xf32>,
    %slice3A_47 = vector.extract_strided_slice %reduce_sum3A_27 {offsets = [0, 0], sizes = [2000, 2], strides = [1, 1]} : vector<2000x8xf32> to vector<2000x2xf32>
    %swap3A_48 = arith.constant 0 : index
    %swap3A_49 = arith.constant 0 : index
    %swap3A_50 = arith.constant 0 : index
    %swap3A_51 = vector.load %arg9[%swap3A_48, %swap3A_49, %swap3A_50] : memref<4x2000x2xf32, #tpu.memory_space<vmem>>, vector<1x2000x2xf32>
    %swap3A_52 = vector.shape_cast %swap3A_51 : vector<1x2000x2xf32> to vector<2000x2xf32>
    %swap3A_53 = vector.shape_cast %slice3A_47 : vector<2000x2xf32> to vector<1x2000x2xf32>
    tpu.vector_store %arg9[%swap3A_48, %swap3A_49, %swap3A_50], %swap3A_53 {strides = array<i32>} : memref<4x2000x2xf32, #tpu.memory_space<vmem>>, vector<1x2000x2xf32>,
    %slice3A_54 = vector.extract_strided_slice %reduce_sum3A_18 {offsets = [0, 2], sizes = [2000, 2], strides = [1, 1]} : vector<2000x8xf32> to vector<2000x2xf32>
    %swap3A_55 = arith.constant 1 : index
    %swap3A_56 = arith.constant 0 : index
    %swap3A_57 = arith.constant 0 : index
    %swap3A_58 = vector.load %arg8[%swap3A_55, %swap3A_56, %swap3A_57] : memref<4x2000x2xf32, #tpu.memory_space<vmem>>, vector<1x2000x2xf32>
    %swap3A_59 = vector.shape_cast %swap3A_58 : vector<1x2000x2xf32> to vector<2000x2xf32>
    %swap3A_60 = vector.shape_cast %slice3A_54 : vector<2000x2xf32> to vector<1x2000x2xf32>
    tpu.vector_store %arg8[%swap3A_55, %swap3A_56, %swap3A_57], %swap3A_60 {strides = array<i32>} : memref<4x2000x2xf32, #tpu.memory_space<vmem>>, vector<1x2000x2xf32>,
    %slice3A_61 = vector.extract_strided_slice %reduce_sum3A_27 {offsets = [0, 2], sizes = [2000, 2], strides = [1, 1]} : vector<2000x8xf32> to vector<2000x2xf32>
    %swap3A_62 = arith.constant 1 : index
    %swap3A_63 = arith.constant 0 : index
    %swap3A_64 = arith.constant 0 : index
    %swap3A_65 = vector.load %arg9[%swap3A_62, %swap3A_63, %swap3A_64] : memref<4x2000x2xf32, #tpu.memory_space<vmem>>, vector<1x2000x2xf32>
    %swap3A_66 = vector.shape_cast %swap3A_65 : vector<1x2000x2xf32> to vector<2000x2xf32>
    %swap3A_67 = vector.shape_cast %slice3A_61 : vector<2000x2xf32> to vector<1x2000x2xf32>
    tpu.vector_store %arg9[%swap3A_62, %swap3A_63, %swap3A_64], %swap3A_67 {strides = array<i32>} : memref<4x2000x2xf32, #tpu.memory_space<vmem>>, vector<1x2000x2xf32>,
    %slice3A_68 = vector.extract_strided_slice %reduce_sum3A_18 {offsets = [0, 4], sizes = [2000, 2], strides = [1, 1]} : vector<2000x8xf32> to vector<2000x2xf32>
    %swap3A_69 = arith.constant 2 : index
    %swap3A_70 = arith.constant 0 : index
    %swap3A_71 = arith.constant 0 : index
    %swap3A_72 = vector.load %arg8[%swap3A_69, %swap3A_70, %swap3A_71] : memref<4x2000x2xf32, #tpu.memory_space<vmem>>, vector<1x2000x2xf32>
    %swap3A_73 = vector.shape_cast %swap3A_72 : vector<1x2000x2xf32> to vector<2000x2xf32>
    %swap3A_74 = vector.shape_cast %slice3A_68 : vector<2000x2xf32> to vector<1x2000x2xf32>
    tpu.vector_store %arg8[%swap3A_69, %swap3A_70, %swap3A_71], %swap3A_74 {strides = array<i32>} : memref<4x2000x2xf32, #tpu.memory_space<vmem>>, vector<1x2000x2xf32>,
    %slice3A_75 = vector.extract_strided_slice %reduce_sum3A_27 {offsets = [0, 4], sizes = [2000, 2], strides = [1, 1]} : vector<2000x8xf32> to vector<2000x2xf32>
    %swap3A_76 = arith.constant 2 : index
    %swap3A_77 = arith.constant 0 : index
    %swap3A_78 = arith.constant 0 : index
    %swap3A_79 = vector.load %arg9[%swap3A_76, %swap3A_77, %swap3A_78] : memref<4x2000x2xf32, #tpu.memory_space<vmem>>, vector<1x2000x2xf32>
    %swap3A_80 = vector.shape_cast %swap3A_79 : vector<1x2000x2xf32> to vector<2000x2xf32>
    %swap3A_81 = vector.shape_cast %slice3A_75 : vector<2000x2xf32> to vector<1x2000x2xf32>
    tpu.vector_store %arg9[%swap3A_76, %swap3A_77, %swap3A_78], %swap3A_81 {strides = array<i32>} : memref<4x2000x2xf32, #tpu.memory_space<vmem>>, vector<1x2000x2xf32>,
    %slice3A_82 = vector.extract_strided_slice %reduce_sum3A_18 {offsets = [0, 6], sizes = [2000, 2], strides = [1, 1]} : vector<2000x8xf32> to vector<2000x2xf32>
    %swap3A_83 = arith.constant 3 : index
    %swap3A_84 = arith.constant 0 : index
    %swap3A_85 = arith.constant 0 : index
    %swap3A_86 = vector.load %arg8[%swap3A_83, %swap3A_84, %swap3A_85] : memref<4x2000x2xf32, #tpu.memory_space<vmem>>, vector<1x2000x2xf32>
    %swap3A_87 = vector.shape_cast %swap3A_86 : vector<1x2000x2xf32> to vector<2000x2xf32>
    %swap3A_88 = vector.shape_cast %slice3A_82 : vector<2000x2xf32> to vector<1x2000x2xf32>
    tpu.vector_store %arg8[%swap3A_83, %swap3A_84, %swap3A_85], %swap3A_88 {strides = array<i32>} : memref<4x2000x2xf32, #tpu.memory_space<vmem>>, vector<1x2000x2xf32>,
    %slice3A_89 = vector.extract_strided_slice %reduce_sum3A_27 {offsets = [0, 6], sizes = [2000, 2], strides = [1, 1]} : vector<2000x8xf32> to vector<2000x2xf32>
    %swap3A_90 = arith.constant 3 : index
    %swap3A_91 = arith.constant 0 : index
    %swap3A_92 = arith.constant 0 : index
    %swap3A_93 = vector.load %arg9[%swap3A_90, %swap3A_91, %swap3A_92] : memref<4x2000x2xf32, #tpu.memory_space<vmem>>, vector<1x2000x2xf32>
    %swap3A_94 = vector.shape_cast %swap3A_93 : vector<1x2000x2xf32> to vector<2000x2xf32>
    %swap3A_95 = vector.shape_cast %slice3A_89 : vector<2000x2xf32> to vector<1x2000x2xf32>
    tpu.vector_store %arg9[%swap3A_90, %swap3A_91, %swap3A_92], %swap3A_95 {strides = array<i32>} : memref<4x2000x2xf32, #tpu.memory_space<vmem>>, vector<1x2000x2xf32>,
    %reduce_max3A = arith.constant dense<0xFF800000> : vector<8xf32>
    %reduce_max3A_96 = vector.multi_reduction <maximumf>, %reduce_sum3A_18, %reduce_max3A [0] : vector<2000x8xf32> to vector<8xf32>
    %reshape3A_97 = vector.shape_cast %reduce_max3A_96 : vector<8xf32> to vector<4x2xf32>
    %broadcast_in_dim3A_98 = arith.constant -1.000000e+30 : f32
    %broadcast_in_dim3A_99 = vector.broadcast %broadcast_in_dim3A_98 : f32 to vector<4x126xf32>
    %concatenate3A = tpu.concatenate %reshape3A_97, %broadcast_in_dim3A_99 in 1 : vector<4x2xf32>, vector<4x126xf32> -> vector<4x128xf32>
    %eq3A = arith.constant 0 : i32
    %eq3A_100 = arith.cmpi eq, %arg0, %eq3A : i32
    %convert_element_type3A = arith.extui %eq3A_100 : i1 to i32
    %cond3A = arith.constant 0 : i32
    %cond3A_101 = arith.cmpi ne, %convert_element_type3A, %cond3A : i32
    scf.if %cond3A_101 {
      %swap3A_106 = arith.constant 0 : index
      %swap3A_107 = arith.constant 0 : index
      %swap3A_108 = vector.load %arg10[%swap3A_106, %swap3A_107] : memref<4x128xf32, #tpu.memory_space<vmem>>, vector<4x128xf32>
      tpu.vector_store %arg10[%swap3A_106, %swap3A_107], %concatenate3A {strides = array<i32>} : memref<4x128xf32, #tpu.memory_space<vmem>>, vector<4x128xf32>,
    } else {
    }
    %gt3A = arith.constant 0 : i32
    %gt3A_102 = arith.cmpi sgt, %arg0, %gt3A : i32
    %convert_element_type3A_103 = arith.extui %gt3A_102 : i1 to i32
    %cond3A_104 = arith.constant 0 : i32
    %cond3A_105 = arith.cmpi ne, %convert_element_type3A_103, %cond3A_104 : i32
    scf.if %cond3A_105 {
      %get3A_106 = arith.constant 0 : index
      %get3A_107 = arith.constant 0 : index
      %get3A_108 = vector.load %arg10[%get3A_106, %get3A_107] : memref<4x128xf32, #tpu.memory_space<vmem>>, vector<4x128xf32>
      %max3A = arith.maximumf %get3A_108, %concatenate3A : vector<4x128xf32>
      %swap3A_109 = arith.constant 0 : index
      %swap3A_110 = arith.constant 0 : index
      %swap3A_111 = vector.load %arg10[%swap3A_109, %swap3A_110] : memref<4x128xf32, #tpu.memory_space<vmem>>, vector<4x128xf32>
      tpu.vector_store %arg10[%swap3A_109, %swap3A_110], %max3A {strides = array<i32>} : memref<4x128xf32, #tpu.memory_space<vmem>>, vector<4x128xf32>,
    } else {
    }
    return
  }
  func.func @transform_0(%arg0: i32) -> (i32, i32) {
    %c0_i32 = arith.constant 0 : i32
    %c0_i32_0 = arith.constant 0 : i32
    return %arg0, %c0_i32 : i32, i32
  }
  func.func @transform_1(%arg0: i32) -> (i32, i32) {
    %c0_i32 = arith.constant 0 : i32
    %c0_i32_0 = arith.constant 0 : i32
    return %arg0, %c0_i32 : i32, i32
  }
  func.func @transform_2(%arg0: i32) -> (i32, i32) {
    %c0_i32 = arith.constant 0 : i32
    %c0_i32_0 = arith.constant 0 : i32
    %c0_i32_1 = arith.constant 0 : i32
    return %c0_i32, %c0_i32_0 : i32, i32
  }
  func.func @transform_3(%arg0: i32) -> (i32, i32) {
    %c0_i32 = arith.constant 0 : i32
    %c0_i32_0 = arith.constant 0 : i32
    %c0_i32_1 = arith.constant 0 : i32
    return %c0_i32, %c0_i32_0 : i32, i32
  }
  func.func @transform_4(%arg0: i32) -> (i32, i32) {
    %c0_i32 = arith.constant 0 : i32
    %c0_i32_0 = arith.constant 0 : i32
    %c0_i32_1 = arith.constant 0 : i32
    return %c0_i32, %c0_i32_0 : i32, i32
  }
  func.func @transform_5(%arg0: i32) -> (i32, i32) {
    %c0_i32 = arith.constant 0 : i32
    %c0_i32_0 = arith.constant 0 : i32
    %c0_i32_1 = arith.constant 0 : i32
    return %c0_i32, %c0_i32_0 : i32, i32
  }
  func.func @transform_6(%arg0: i32) -> (i32, i32, i32) {
    %c0_i32 = arith.constant 0 : i32
    %c0_i32_0 = arith.constant 0 : i32
    %c0_i32_1 = arith.constant 0 : i32
    return %c0_i32, %arg0, %c0_i32_0 : i32, i32, i32
  }
  func.func @transform_7(%arg0: i32) -> (i32, i32, i32) {
    %c0_i32 = arith.constant 0 : i32
    %c0_i32_0 = arith.constant 0 : i32
    %c0_i32_1 = arith.constant 0 : i32
    return %c0_i32, %arg0, %c0_i32_0 : i32, i32, i32
  }
  func.func @transform_8(%arg0: i32) -> (i32, i32, i32) {
    %c0_i32 = arith.constant 0 : i32
    %c0_i32_0 = arith.constant 0 : i32
    %c0_i32_1 = arith.constant 0 : i32
    return %c0_i32, %arg0, %c0_i32_0 : i32, i32, i32
  }
  func.func @transform_9(%arg0: i32) -> (i32, i32) {
    %c0_i32 = arith.constant 0 : i32
    %c0_i32_0 = arith.constant 0 : i32
    %c0_i32_1 = arith.constant 0 : i32
    return %c0_i32, %c0_i32_0 : i32, i32
  }
}

module attributes {stable_mosaic.version = 14 : i64} {
  func.func @_ffn_body(%arg0: i32, %arg1: memref<2000x256xf32, #tpu.memory_space<vmem>>, %arg2: memref<2x2000x128xf32, #tpu.memory_space<vmem>>, %arg3: memref<256xf32, #tpu.memory_space<vmem>>, %arg4: memref<256x512xf32, #tpu.memory_space<vmem>>, %arg5: memref<512xf32, #tpu.memory_space<vmem>>, %arg6: memref<512x256xf32, #tpu.memory_space<vmem>>, %arg7: memref<256xf32, #tpu.memory_space<vmem>>, %arg8: memref<2000x256xf32, #tpu.memory_space<vmem>>) attributes {dimension_semantics = [#tpu.dimension_semantics<arbitrary>], iteration_bounds = array<i64: 5>, scalar_prefetch = 0 : i64, scratch_operands = 0 : i64, tpu.core_type = #tpu.core_type<tc>, window_params = [{transform_indices = @transform_0, window_bounds = array<i64: 2000, 256>}, {transform_indices = @transform_1, window_bounds = array<i64: 2, 2000, 128>}, {pipeline_mode = #tpu.pipeline_mode<synchronous>, transform_indices = @transform_2, window_bounds = array<i64: 256>}, {pipeline_mode = #tpu.pipeline_mode<synchronous>, transform_indices = @transform_3, window_bounds = array<i64: 256, 512>}, {pipeline_mode = #tpu.pipeline_mode<synchronous>, transform_indices = @transform_4, window_bounds = array<i64: 512>}, {pipeline_mode = #tpu.pipeline_mode<synchronous>, transform_indices = @transform_5, window_bounds = array<i64: 512, 256>}, {pipeline_mode = #tpu.pipeline_mode<synchronous>, transform_indices = @transform_6, window_bounds = array<i64: 256>}, {transform_indices = @transform_7, window_bounds = array<i64: 2000, 256>}]} {
    %get3A = arith.constant 0 : index
    %get3A_0 = arith.constant 0 : index
    %get3A_1 = arith.constant 0 : index
    %get3A_2 = vector.load %arg2[%get3A, %get3A_0, %get3A_1] : memref<2x2000x128xf32, #tpu.memory_space<vmem>>, vector<1x2000x128xf32>
    %get3A_3 = vector.shape_cast %get3A_2 : vector<1x2000x128xf32> to vector<2000x128xf32>
    %get3A_4 = arith.constant 1 : index
    %get3A_5 = arith.constant 0 : index
    %get3A_6 = arith.constant 0 : index
    %get3A_7 = vector.load %arg2[%get3A_4, %get3A_5, %get3A_6] : memref<2x2000x128xf32, #tpu.memory_space<vmem>>, vector<1x2000x128xf32>
    %get3A_8 = vector.shape_cast %get3A_7 : vector<1x2000x128xf32> to vector<2000x128xf32>
    %concatenate3A = tpu.concatenate %get3A_3, %get3A_8 in 1 : vector<2000x128xf32>, vector<2000x128xf32> -> vector<2000x256xf32>
    %get3A_9 = arith.constant 0 : index
    %get3A_10 = vector.load %arg3[%get3A_9] : memref<256xf32, #tpu.memory_space<vmem>>, vector<256xf32>
    %broadcast_in_dim3A = vector.shape_cast %get3A_10 : vector<256xf32> to vector<1x256xf32>
    %add3A = vector.broadcast %broadcast_in_dim3A : vector<1x256xf32> to vector<2000x256xf32>
    %add3A_11 = arith.addf %concatenate3A, %add3A : vector<2000x256xf32>
    %gt3A = arith.constant 0.000000e+00 : f32
    %gt3A_12 = vector.broadcast %gt3A : f32 to vector<2000x256xf32>
    %gt3A_13 = arith.cmpf ogt, %add3A_11, %gt3A_12 : vector<2000x256xf32>
    %min3A = arith.constant 0.000000e+00 : f32
    %min3A_14 = vector.broadcast %min3A : f32 to vector<2000x256xf32>
    %min3A_15 = arith.minimumf %add3A_11, %min3A_14 : vector<2000x256xf32>
    %exp3A = math.exp %min3A_15 : vector<2000x256xf32>
    %sub3A = arith.constant 1.000000e+00 : f32
    %sub3A_16 = vector.broadcast %sub3A : f32 to vector<2000x256xf32>
    %sub3A_17 = arith.subf %exp3A, %sub3A_16 : vector<2000x256xf32>
    %select_n3A = arith.select %gt3A_13, %add3A_11, %sub3A_17 : vector<2000x256xi1>, vector<2000x256xf32>
    %get3A_18 = arith.constant 0 : index
    %get3A_19 = arith.constant 0 : index
    %get3A_20 = vector.load %arg1[%get3A_18, %get3A_19] : memref<2000x256xf32, #tpu.memory_space<vmem>>, vector<2000x256xf32>
    %add3A_21 = arith.addf %get3A_20, %select_n3A : vector<2000x256xf32>
    %get3A_22 = arith.constant 0 : index
    %get3A_23 = arith.constant 0 : index
    %get3A_24 = vector.load %arg4[%get3A_22, %get3A_23] : memref<256x512xf32, #tpu.memory_space<vmem>>, vector<256x512xf32>
    %dot_general3A = arith.constant dense<0.000000e+00> : vector<2000x512xf32>
    %dot_general3A_25 = tpu.matmul %add3A_21, %get3A_24, %dot_general3A {dimension_numbers = #tpu.dot_dimension_numbers<[1], [0], [0], [1], [0, 0, 1, 1], [], []>, transpose_lhs_hint = false} : vector<2000x256xf32>, vector<256x512xf32>, vector<2000x512xf32> -> vector<2000x512xf32>
    %get3A_26 = arith.constant 0 : index
    %get3A_27 = vector.load %arg5[%get3A_26] : memref<512xf32, #tpu.memory_space<vmem>>, vector<512xf32>
    %broadcast_in_dim3A_28 = vector.shape_cast %get3A_27 : vector<512xf32> to vector<1x512xf32>
    %add3A_29 = vector.broadcast %broadcast_in_dim3A_28 : vector<1x512xf32> to vector<2000x512xf32>
    %add3A_30 = arith.addf %dot_general3A_25, %add3A_29 : vector<2000x512xf32>
    %max3A = arith.constant 0.000000e+00 : f32
    %max3A_31 = vector.broadcast %max3A : f32 to vector<2000x512xf32>
    %max3A_32 = arith.maximumf %add3A_30, %max3A_31 : vector<2000x512xf32>
    %get3A_33 = arith.constant 0 : index
    %get3A_34 = arith.constant 0 : index
    %get3A_35 = vector.load %arg6[%get3A_33, %get3A_34] : memref<512x256xf32, #tpu.memory_space<vmem>>, vector<512x256xf32>
    %dot_general3A_36 = arith.constant dense<0.000000e+00> : vector<2000x256xf32>
    %dot_general3A_37 = tpu.matmul %max3A_32, %get3A_35, %dot_general3A_36 {dimension_numbers = #tpu.dot_dimension_numbers<[1], [0], [0], [1], [0, 0, 1, 1], [], []>, transpose_lhs_hint = false} : vector<2000x512xf32>, vector<512x256xf32>, vector<2000x256xf32> -> vector<2000x256xf32>
    %get3A_38 = arith.constant 0 : index
    %get3A_39 = vector.load %arg7[%get3A_38] : memref<256xf32, #tpu.memory_space<vmem>>, vector<256xf32>
    %broadcast_in_dim3A_40 = vector.shape_cast %get3A_39 : vector<256xf32> to vector<1x256xf32>
    %add3A_41 = vector.broadcast %broadcast_in_dim3A_40 : vector<1x256xf32> to vector<2000x256xf32>
    %add3A_42 = arith.addf %dot_general3A_37, %add3A_41 : vector<2000x256xf32>
    %swap3A = arith.constant 0 : index
    %swap3A_43 = arith.constant 0 : index
    %swap3A_44 = vector.load %arg8[%swap3A, %swap3A_43] : memref<2000x256xf32, #tpu.memory_space<vmem>>, vector<2000x256xf32>
    tpu.vector_store %arg8[%swap3A, %swap3A_43], %add3A_42 {strides = array<i32>} : memref<2000x256xf32, #tpu.memory_space<vmem>>, vector<2000x256xf32>,
    return
  }
  func.func @transform_0(%arg0: i32) -> (i32, i32) {
    %c0_i32 = arith.constant 0 : i32
    %c0_i32_0 = arith.constant 0 : i32
    return %arg0, %c0_i32 : i32, i32
  }
  func.func @transform_1(%arg0: i32) -> (i32, i32, i32) {
    %c0_i32 = arith.constant 0 : i32
    %c0_i32_0 = arith.constant 0 : i32
    %c0_i32_1 = arith.constant 0 : i32
    return %c0_i32, %arg0, %c0_i32_0 : i32, i32, i32
  }
  func.func @transform_2(%arg0: i32) -> i32 {
    %c0_i32 = arith.constant 0 : i32
    %c0_i32_0 = arith.constant 0 : i32
    return %c0_i32 : i32
  }
  func.func @transform_3(%arg0: i32) -> (i32, i32) {
    %c0_i32 = arith.constant 0 : i32
    %c0_i32_0 = arith.constant 0 : i32
    %c0_i32_1 = arith.constant 0 : i32
    return %c0_i32, %c0_i32_0 : i32, i32
  }
  func.func @transform_4(%arg0: i32) -> i32 {
    %c0_i32 = arith.constant 0 : i32
    %c0_i32_0 = arith.constant 0 : i32
    return %c0_i32 : i32
  }
  func.func @transform_5(%arg0: i32) -> (i32, i32) {
    %c0_i32 = arith.constant 0 : i32
    %c0_i32_0 = arith.constant 0 : i32
    %c0_i32_1 = arith.constant 0 : i32
    return %c0_i32, %c0_i32_0 : i32, i32
  }
  func.func @transform_6(%arg0: i32) -> i32 {
    %c0_i32 = arith.constant 0 : i32
    %c0_i32_0 = arith.constant 0 : i32
    return %c0_i32 : i32
  }
  func.func @transform_7(%arg0: i32) -> (i32, i32) {
    %c0_i32 = arith.constant 0 : i32
    %c0_i32_0 = arith.constant 0 : i32
    return %arg0, %c0_i32 : i32, i32
  }
}

</mosaic_0001>

<sc_bundles>
// kernel: kernel.6.cloned.1.call-start
scs
__scs_entry_jumppad:
0x0: {  	(pc) =	sbr.rel $0x88, $3  }
0x1: {  	(tag) =	ssettag $0x0;
	lr =	simm.s32 $0x1  }
0x2: {  	[smem:$0x3F95] =	sst lr;
	_ =	strace $0xD0000000  }
0x3: {  	_ = 	snop  }
0x4: {  	_ = 	snop  }
0x5: {  	_ = 	snop  }
0x6: {  	_ = 	snop  }
0x7: {  	_ = 	snop  }
__scs_overlays_trampoline_lowered:
0x8: {  	[smem:$0x3FA4] =	sst s0  }
0x9: {  	[smem:$0x3FA5] =	sst s1  }
0xa: {  	[smem:$0x3FA6] =	sst s2  }
0xb: {  	[smem:$0x3FA7] =	sst s3  }
0xc: {  	[smem:$0x3FA8] =	sst s4  }
0xd: {  	[smem:$0x3FA9] =	sst s5  }
0xe: {  	[smem:$0x3FAA] =	sst s6  }
0xf: {  	[smem:$0x3FAB] =	sst s7  }
0x10: {  	[smem:$0x3FAC] =	sst s8  }
0x11: {  	[smem:$0x3FAD] =	sst s9;
	s0 =	simm.s32 @!p0 $0x0  }
0x12: {  	s1 =	sld [smem:$0x3F93];
	s0 =	simm.s32 @p0 $0x1  }
0x13: {  	[smem:$0x3FAE] =	sst s0;
	s0 =	simm.s32 @!p1 $0x0  }
0x14: {  	s2 =	sld [smem:$0x3F92];
	s0 =	simm.s32 @p1 $0x1  }
0x15: {  	[smem:$0x3FAF] =	sst s0;
	s0 =	simm.s32 @!p2 $0x0  }
0x16: {  	s3 =	sld [smem:$0x3FDB];
	s0 =	simm.s32 @p2 $0x1  }
0x17: {  	s4 =	simm.s32 $0x1BF5;
	[smem:$0x3FB1] =	sst s0  }
0x18: {  	s0 =	sld [smem:$0x3F94];
	_ =	swait.ge [sflag:s4], $0x0  }
0x19: {  	s7 =	sld [smem:$0x3F95]  }
0x1a: {  	s8 =	sadd.s32 $0xFFFFE003, lr  }
0x1b: {  	s9 =	sadd.s32 $0xFFFFFEF7, lr;
	s5 =	simm.s32 $0xFFFFFFFF;
	p2 =	slt.u32 s8, $0xFFFFF086  }
0x1c: {  	p1 =	slt.u32 s9, $0xF7A;
	s5 =	simm.s32 @!p2 $0x0  }
0x1d: {  	s5 =	simm.s32 @p1 $0x1;
	p0 =	seq.s32 s7, s2  }
0x1e: {  	s7 =	smul.u32 @!p0 $0xF7A, s2;
	p2 =	seq.s32 @!p0 s5, $0x0  }
0x1f: {  	s9 =	smul.u32 $0xF7A, s1;
	s8 =	simm.s32 @!p0 $0x1BF5;
	p2 =	por !p2, p0  }
0x20: {  	[sflag:s8] =	ssyncset.s32 @!p0 $0xFFFFF086;
	s6 =	sadd.s32 @!p0 s3, s7;
	s7 =	simm.s32 @!p0 $0x108  }
0x21: {  	s3 =	sadd.s32 s3, s9;
	s6 =	sadd.s32 @!p0 $0x88, s6;
	s7 =	simm.s32 @p2 $0x1082  }
0x22: {  	[simem:s7], [sflag:s8] =	dma.local @!p0 [hbm:s6], $0xF7A  }
0x23: {  	s9 =	sor.u32 $0xD0000000, s2;
	s6 =	simm.s32 $0x108;
	_ =	swait.ge @!p0 [sflag:s8], $0x0  }
0x24: {  	s3 =	sadd.s32 $0x88, s3;
	s6 =	simm.s32 @!p1 $0x1082;
	[sflag:s4] =	ssyncset.s32 $0xFFFFF086  }
0x25: {  	[simem:s6], [sflag:s4] =	dma.local [hbm:s3], $0xF7A  }
0x26: {  	[smem:$0x3F95] =	sst s1;
	(tag) =	ssettag s2;
	_ =	strace s9  }
0x27: {  	s1 =	sld [smem:$0x3FA5]  }
0x28: {  	s2 =	sld [smem:$0x3FA6]  }
0x29: {  	s4 =	sld [smem:$0x3FA8]  }
0x2a: {  	p0 =	seq.s32 s5, $0x0;
	s5 =	sld [smem:$0x3FA9]  }
0x2b: {  	s6 =	sld [smem:$0x3FAA]  }
0x2c: {  	s7 =	sld [smem:$0x3FAB]  }
0x2d: {  	s3 =	simm.s32 $0x108;
	s8 =	sld [smem:$0x3FAC]  }
0x2e: {  	s3 =	simm.s32 @!p0 $0x1082;
	s9 =	sld [smem:$0x3FAD]  }
0x2f: {  	lr =	sadd.s32 s0, s3;
	s0 =	sld [smem:$0x3FA4]  }
0x30: {  	s3 =	sld [smem:$0x3FA7]  }
0x31: {  	[smem:$0x3FB0] =	sst s10  }
0x32: {  	s10 =	sld [smem:$0x3FAE];
	_ =	sdelay $0x3  }
0x33: {  	p0 =	seq.s32 s10, $0x1;
	s10 =	sld [smem:$0x3FB0];
	_ =	sdelay $0x3  }
0x34: {  	[smem:$0x3FB0] =	sst s10  }
0x35: {  	s10 =	sld [smem:$0x3FAF];
	_ =	sdelay $0x3  }
0x36: {  	p1 =	seq.s32 s10, $0x1;
	s10 =	sld [smem:$0x3FB0];
	_ =	sdelay $0x3  }
0x37: {  	[smem:$0x3FB0] =	sst s10  }
0x38: {  	s10 =	sld [smem:$0x3FB1]  }
0x39: {  	_ = 	snop;
	(pc) =	sbr.ind lr, $3  }
0x3a: {  	_ = 	snop  }
0x3b: {  	_ = 	snop  }
0x3c: {  	p2 =	seq.s32 s10, $0x1;
	s10 =	sld [smem:$0x3FB0]  }
0x3d: {  	_ =	shalt  }
0x3e: {  	_ =	shalt  }
0x3f: {  	_ =	shalt  }
0x40: {  	_ =	shalt  }
0x41: {  	_ =	shalt  }
0x42: {  	_ =	shalt  }
0x43: {  	_ =	shalt  }
0x44: {  	_ =	shalt  }
0x45: {  	_ =	shalt  }
0x46: {  	_ =	shalt  }
0x47: {  	_ =	shalt  }
0x48: {  	_ =	shalt  }
0x49: {  	_ =	shalt  }
0x4a: {  	_ =	shalt  }
0x4b: {  	_ =	shalt  }
0x4c: {  	_ =	shalt  }
0x4d: {  	_ =	shalt  }
0x4e: {  	_ =	shalt  }
0x4f: {  	_ =	shalt  }
0x50: {  	_ =	shalt  }
0x51: {  	_ =	shalt  }
0x52: {  	_ =	shalt  }
0x53: {  	_ =	shalt  }
0x54: {  	_ =	shalt  }
0x55: {  	_ =	shalt  }
0x56: {  	_ =	shalt  }
0x57: {  	_ =	shalt  }
0x58: {  	_ =	shalt  }
0x59: {  	_ =	shalt  }
0x5a: {  	_ =	shalt  }
0x5b: {  	_ =	shalt  }
0x5c: {  	_ =	shalt  }
0x5d: {  	_ =	shalt  }
0x5e: {  	_ =	shalt  }
0x5f: {  	_ =	shalt  }
0x60: {  	_ =	shalt  }
0x61: {  	_ =	shalt  }
0x62: {  	_ =	shalt  }
0x63: {  	_ =	shalt  }
0x64: {  	_ =	shalt  }
0x65: {  	_ =	shalt  }
0x66: {  	_ =	shalt  }
0x67: {  	_ =	shalt  }
0x68: {  	_ =	shalt  }
0x69: {  	_ =	shalt  }
0x6a: {  	_ =	shalt  }
0x6b: {  	_ =	shalt  }
0x6c: {  	_ =	shalt  }
0x6d: {  	_ =	shalt  }
0x6e: {  	_ =	shalt  }
0x6f: {  	_ =	shalt  }
0x70: {  	_ =	shalt  }
0x71: {  	_ =	shalt  }
0x72: {  	_ =	shalt  }
0x73: {  	_ =	shalt  }
0x74: {  	_ =	shalt  }
0x75: {  	_ =	shalt  }
0x76: {  	_ =	shalt  }
0x77: {  	_ =	shalt  }
0x78: {  	_ =	shalt  }
0x79: {  	_ =	shalt  }
0x7a: {  	_ =	shalt  }
0x7b: {  	_ =	shalt  }
0x7c: {  	_ =	shalt  }
0x7d: {  	_ =	shalt  }
0x7e: {  	_ =	shalt  }
0x7f: {  	_ =	shalt  }
0x80: {  	_ =	shalt  }
0x81: {  	_ =	shalt  }
0x82: {  	_ =	shalt  }
0x83: {  	_ =	shalt  }
0x84: {  	_ =	shalt  }
0x85: {  	_ =	shalt  }
0x86: {  	_ =	shalt  }
0x87: {  	_ =	shalt  }
.Lfunc_end0:
.L_simem_size_0:
called_computation_lowered:
.L_overlay_start_0:
0x88: {  	s2 =	sld [smem:$0x3FD9]  }
0x89: {  	s3 =	sld [smem:$0x3FFE];
	_ =	sdelay $0x1  }
0x8a: {  	s1 =	srdreg.scid  }
0x8b: {  	s0 =	sand.u32 $0x1, s1  }
0x8c: {  	s16 =	sshll.u32 s0, $0xA;
	s2 =	sadd.s32 s3, s2  }
0x8d: {  	s2 =	sadd.s32 s2, s16  }
0x8e: {  	[smem:$0x3FBC] =	sst s2  }
0x8f: {  	_ = 	snop  }
0x90: {  	(tm) =	ssettm $0x1  }
0x91: {  	s17 =	sld [smem:$0x3FFB];
	_ =	sdelay $0x3  }
0x92: {  	_ =	strace s17  }
0x93: {  	s2 =	sld [smem:$0x3FFC];
	_ =	sdelay $0x3  }
0x94: {  	_ =	strace s2  }
0x95: {  	s2 =	sld [smem:$0x3FFD];
	_ =	sdelay $0x3  }
0x96: {  	_ =	strace s2  }
0x97: {  	_ =	strace $0x8FFFFFFF  }
0x98: {  	s18 =	sld [smem:$0x3FDB];
	_ =	sdelay $0x1  }
0x99: {  	s19 =	simm.s32 $_scs_section_size  }
0x9a: {  	s4 =	simm.s32 $_size__tile_overlayer_lowered;
	s5 =	simm.s32 $_tile_overlayer_lowered  }
0x9b: {  	s22 =	simm.s32 $0x1BFF;
	s21 =	sshll.u32 s5, $0x1;
	s2 =	sadd.s32 s19, s18  }
0x9c: {  	s6 =	simm.s32 $0x0;
	s20 =	sshll.u32 s4, $0x1;
	s4 =	sadd.s32 s21, s2  }
0x9d: {  	[timem:s6], [sflag:s22] =	dma.local [hbm:s4], s20  }
0x9e: {  	_ =	swait.ge [sflag:s22], s20  }
0x9f: {  	s3 =	ssub.s32 $0x0, s20;
	[sflag:s22] =	ssyncset.done $0x0  }
0xa0: {  	[sflag:s22] =	ssyncadd.s32 s3;
	_ =	sdelay $0x1  }
0xa1: {  	s23 =	simm.s32 $0x1B8B  }
0xa2: {  	_ =	swait.ge [sflag:s23], $0x1  }
0xa3: {  	[sflag:s23] =	ssyncset.done $0x0  }
0xa4: {  	s25 =	simm.s32 $0x1B8E;
	s24 =	sld [smem:$0x3FFE];
	[sflag:s23] =	ssyncadd.s32 $0xFFFFFFFF  }
0xa5: {  	s26 =	simm.s32 $execute0_lowered;
	[smem:$0x3FD2] =	sst s25  }
0xa6: {  	s4 =	sshll.u32 s26, $0x1;
	_ =	strace $0x80000046;
	[dreg:$0x1] =	wrdreg $0xFFFFFFFF  }
0xa7: {  	s28 =	simm.s32 $_size_execute0_lowered;
	s2 =	sadd.s32 s2, s4;
	[dreg:$0x0] =	wrdreg $0x0  }
0xa8: {  	s4 =	sshll.u32 s28, $0x1;
	[dreg:$0x2] =	wrdreg s2  }
0xa9: {  	[dreg:$0x3] =	wrdreg s4  }
0xaa: {  	[dreg:$0x4] =	wrdreg $0xC0  }
0xab: {  	_ =	task [dreg:s6], $0x5FFFF  }
0xac: {  	[dreg:$0x1] =	wrdreg $0xFFFFFFFF  }
0xad: {  	[dreg:$0x0] =	wrdreg $0x60  }
0xae: {  	[dreg:$0x2] =	wrdreg s24  }
0xaf: {  	[dreg:$0x3] =	wrdreg $0x109000  }
0xb0: {  	[dreg:$0x4] =	wrdreg $0x159000  }
0xb1: {  	[dreg:$0x5] =	wrdreg $0x9  }
0xb2: {  	_ =	task.clear_ibuf [dreg:s6], $0x6FFFF;
	_ =	strace $0x90000046  }
0xb3: {  	s29 =	simm.s32 $0x9;
	_ =	strace $0x80000048  }
0xb4: {  	_ =	swait.ge [sflag:s29], $0x1  }
0xb5: {  	[sflag:s29] =	ssyncadd.s32 $0xFFFFFFFF  }
0xb6: {  	_ =	strace $0x90000048  }
0xb7: {  	_ =	sfence  }
0xb8: {  	s30 =	sld [smem:$0x0];
	_ =	sdelay $0x2  }
0xb9: {  	s31 =	sshll.u32 s1, $0xD;
	s1 =	sshrl.u32 s1, $0x2  }
0xba: {  	s3 =	sand.u32 $0x4000, s31;
	s1 =	sadd.s32 s1, s30  }
0xbb: {  	s0 =	sor.u32 s3, s0;
	s1 =	sshll.u32 s1, $0x11  }
0xbc: {  	s0 =	sor.u32 s1, s0  }
0xbd: {  	s0 =	sadd.s32 $0x8F2B, s0  }
0xbe: {  	[sflag:s0] =	ssyncadd.remote.s32 $0x1  }
0xbf: {  	_ =	sfence.sel $0xFFFF  }
0xc0: {  	[dreg:$0x0] =	wrdreg $0xFFFFFFFF;
	(pc) =	sbr.abs _section_cstart, $3  }
0xc1: {  	[dreg:$0x1] =	wrdreg $0xFFFFFFFF  }
0xc2: {  	_ =	task.clear_ibuf [dreg:s6], $0x2FFFF;
	_ =	strace $0x9FFFFFFF  }
0xc3: {  	(tm) =	ssettm $0x7FFFFFFF  }
tec
execute0_lowered:
.L_overlay_start_1:
0x0: {  	(tag) =	ssettag $0x1  }
0x1: {  	s0 =	rddreg [dreg:$0x0]  }
0x2: {  	s1 =	rddreg [dreg:$0x1]  }
0x3: {  	s6 =	rddreg [dreg:$0x2];
	s2 =	srdreg.scid  }
0x4: {  	s13 =	stileid.u32;
	s28 =	simm.s32 $0x9D00;
	s29 =	simm.s32 $0xED80  }
0x5: {  	s30 =	simm.s32 $0xEF80;
	s31 =	simm.s32 $0x9D80;
	s3 =	sand.u32 $0x1, s2  }
0x6: {  	s2 =	simm.s32 $0x0;
	s7 =	sshrl.u32 s13, $0x3;
	s5 =	sadd.s32 $0x11A00, s0  }
0x7: {  	s17 =	sand.u32 $0x7, s13;
	s13 =	sshll.u32 s13, $0x7;
	s4 =	sshll.u32 s3, $0x1  }
0x8: {  	[smem:$0x7FF] =	sst s2;
	s9 =	ssub.s32 $0x2, s3;
	s3 =	sadd.s32 $0xCA00, s0  }
0x9: {  	s12 =	smul.u32 $0xA0000, s7;
	s21 =	sand.u32 $0x380, s13;
	s8 =	sor.u32 s7, s4  }
0xa: {  	_ =	strace $0x80000047;
	s11 =	sshrl.u32 s9, $0x1;
	s7 =	sshll.u32 s7, $0x7  }
0xb: {  	s4 =	sshll.u32 s8, $0x4;
	s16 =	ssub.s32 s9, s11;
	s9 =	smul.u32 $0x4E20, s17  }
0xc: {  	s12 =	sshrl.u32 s12, $0x2;
	s11 =	smul.u32 $0x5000, s17;
	s13 =	sadd.s32 s7, s6  }
0xd: {  	s10 =	sadd.s32 s4, s0;
	s4 =	sadd.s32 $0x7A00, s0;
	s0 =	smax.u32 s16, $0x1  }
0xe: {  	s7 =	simm.s32 $0xF500;
	s18 =	sadd.s32 $0x2A00, s10;
	[dreg:$0xa] =	wrdreg s0  }
0xf: {  	s22 =	sadd.s32 s12, s1;
	s19 =	sadd.s32 $0x5200, s10;
	[dreg:$0x4] =	wrdreg s18  }
0x10: {  	s20 =	sadd.s32 $0x13B200, s10;
	s10 =	smul.u32 $0x4E200, s8;
	[dreg:$0x5] =	wrdreg s19  }
0x11: {  	s8 =	sadd.s32 s21, s22;
	s23 =	sadd.s32 s11, s22;
	[dreg:$0x6] =	wrdreg s20  }
0x12: {  	s1 =	sadd.s32 s11, s1;
	s24 =	sshrl.u32 s11, $0x2;
	[dreg:$0x7] =	wrdreg s8  }
0x13: {  	s0 =	simm.s32 $0xF180;
	s11 =	simm.s32 $0x0;
	[dreg:$0x8] =	wrdreg s23  }
0x14: {  	s6 =	sadd.s32 s24, s13;
	s25 =	sadd.s32 s12, s1;
	s23 =	simm.s32 $0x80  }
0x15: {  	vm5 =	vcmask $0x3730;
	s8 =	simm.s32 $0x100;
	[dreg:$0x9] =	wrdreg s6;
	s1 =	sadd.s32 $0x80, s25  }
0x16: {  	vm6 =	vcmask $0x3F38;
	s26 =	sadd.s32 $0x100, s25;
	s18 =	sadd.s32 $0x180, s25;
	s19 =	sadd.s32 $0x200, s25  }
0x17: {  	v0 =	vimm.f32 $0.0e+00;
	v2 =	vlaneseq.u32;
	vm0 =	vcmask $0xF08;
	s20 =	sadd.s32 $0x280, s25;
	s21 =	sadd.s32 $0x300, s25;
	s22 =	sadd.s32 $0x380, s25  }
0x18: {  	vm1 =	vcmask $0x1710;
	vm2 =	vcmask $0x1F18;
	vm3 =	vcmask $0x2720;
	s25 =	simm.s32 $0x1;
	s6 =	simm.s32 $0xFF00;
	[dreg:$0xb] =	wrdreg s1  }
0x19: {  	vm4 =	vcmask $0x2F28;
	v1 =	vand.u32 $0x1, v2;
	v2 =	vshrl.u32 v2, $0x1;
	[dreg:$0xc] =	wrdreg s26;
	s26 =	simm.s32 $0x4E80;
	s1 =	simm.s32 $0x400  }
.LBB2_1:
0x1a: {  	s12 =	rddreg [dreg:$0x4];
	s14 =	simm.s32 $0x200  }
0x1b: {  	[tilespmem:s2], [sflag:$0x1] =	stream.strided.gather [hbm4b:s12+s23], $0x4E80, s14, s23, $0x38;
	[tilespmem:$0x16300] =	vst v63  }
0x1c: {  	_ =	swait.ge [sflag:s25], $0x4E80  }
0x1d: {  	[sflag:s25] =	ssyncset.done $0x0  }
0x1e: {  	s17 =	rddreg [dreg:$0x5];
	[sflag:s25] =	ssyncadd.s32 $0xFFFFB180  }
0x1f: {  	[tilespmem:s26], [sflag:$0x1] =	stream.strided.gather [hbm4b:s17+s23], $0x4E80, s14, s23, $0x38;
	[tilespmem:$0x16300] =	vst v63  }
0x20: {  	_ =	swait.ge [sflag:s25], $0x4E80  }
0x21: {  	[sflag:s25] =	ssyncset.done $0x0  }
0x22: {  	s24 =	rddreg [dreg:$0x6];
	[sflag:s25] =	ssyncadd.s32 $0xFFFFB180  }
0x23: {  	[tilespmem:s28], [sflag:$0x1] =	stream.linear.gather [hbm4b:s24+s2], $0x80, $0x38;
	[tilespmem:$0x16300] =	vst v63  }
0x24: {  	_ =	swait.ge [sflag:s25], $0x80  }
0x25: {  	[sflag:s25] =	ssyncset.done $0x0  }
0x26: {  	s12 =	simm.s32 $0x40;
	s14 =	simm.s32 $0x0;
	[sflag:s25] =	ssyncadd.s32 $0xFFFFFF80  }
.LBB2_2:
0x27: {  	p0 =	sne.s32 s12, $0x13FC0;
	[tilespmem:s14+$0x9D80] =	vst v0;
	s14 =	smov.u32 s12;
	s12 =	sadd.s32 $0x40, s12  }
.Ltmp0:
0x28: {  	(pc) =	sbr.rel @p0 .LBB2_2-.Ltmp0, $2  }
0x29: {  	_ =	sdelay $0x2  }
0x2a: {  	s14 =	sshra.s32 s14, $0x2  }
0x2b: {  	[tilespmem:s14+$0x9D80] =	vst v0;
	s12 =	simm.s32 $0x0;
	s14 =	simm.s32 $0x0  }
.LBB2_4:
0x2c: {  	s15 =	smul.u32 $0x190, s14;
	_ =	sdelay $0x1  }
0x2d: {  	s15 =	sadd.s32 s9, s15  }
0x2e: {  	s16 =	sshrl.u32 s15, $0x3  }
0x2f: {  	s17 =	sadd.s32 s3, s16  }
0x30: {  	[tilespmem:s29], [sflag:$0x1] =	stream.linear.gather [hbm4b:s17+s12], $0x190, $0x38;
	[tilespmem:$0x16300] =	vst v63  }
0x31: {  	_ =	swait.ge [sflag:s25], $0x190  }
0x32: {  	[sflag:s25] =	ssyncset.done $0x0  }
0x33: {  	v3 =	vor.u32 s12, v2;
	s16 =	sadd.s32 s4, s16;
	[sflag:s25] =	ssyncadd.s32 $0xFFFFFE70  }
0x34: {  	[tilespmem:s30], [sflag:$0x1] =	stream.linear.gather [hbm4b:s16+s12], $0x190, $0x38;
	[tilespmem:$0x16300] =	vst v63  }
0x35: {  	_ =	swait.ge [sflag:s25], $0x190  }
0x36: {  	[sflag:s25] =	ssyncset.done $0x0  }
0x37: {  	[sflag:s25] =	ssyncadd.s32 $0xFFFFFE70  }
0x38: {  	v4 =	vld.idx.msk [tilespmem:v3+s29+$0x0], $0xffff  }
0x39: {  	v3 =	vld.idx.msk [tilespmem:v3+s30+$0x0], $0xffff;
	_ =	sdelay $0x3  }
0x3a: {  	v4 =	vshll.u32 v4, $0x1  }
0x3b: {  	v3 =	vshll.u32 v3, $0x1;
	v4 =	vor.u32 v1, v4  }
0x3c: {  	v3 =	vor.u32 v1, v3;
	_ =	sdelay $0x2  }
0x3d: {  	v5 =	vld.idx.msk [tilespmem:v1+s28+$0x0], $0xffff  }
0x3e: {  	v4 =	vld.idx.msk [tilespmem:v4+s2+$0x0], $0xffff  }
0x3f: {  	v6 =	vld.idx.msk [tilespmem:v3+s26+$0x0], $0xffff;
	_ =	sdelay $0x4  }
0x40: {  	v4 =	vadd.f32 v6, v4;
	v5 =	vadd.f32 v6, v5;
	_ =	sdelay $0x1  }
0x41: {  	v6 =	vmul.f32 $2.000000030e-01, v4;
	v7 =	vmul.f32 $2.000000030e-01, v5  }
0x42: {  	vm7 =	vge.f32 v4, $0.0e+00;
	vm8 =	vge.f32 v5, $0.0e+00  }
0x43: {  	v4 =	vsel vm7, v4, v6;
	v5 =	vsel vm8, v5, v7  }
0x44: {  	v4 =	vsub.f32 v4, v5;
	_ =	sdelay $0x1  }
0x45: {  	v4 =	vmul.f32 $1.442695020e+00, v4;
	_ =	sdelay $0x1  }
0x46: {  	(erf) = vpow2.f32 v4;
	_ =	sdelay $0x8  }
0x47: {  	s24 =	simm.s32 $0xF180;
	v4 =	vpop (erf)  }
0x48: {  	[tilespmem:s24+$0x0] =	vst v4  }
0x49: {  	[tilespmem:v3+s31+$0x0] =	vst.idx.add.f32.msk $0x3, v4  }
0x4a: {  	[tilespmem:v3+s31+$0x0] =	vst.idx.add.f32.msk vm0, v4  }
0x4b: {  	[tilespmem:v3+s31+$0x0] =	vst.idx.add.f32.msk vm1, v4  }
0x4c: {  	s17 =	simm.s32 $0x8;
	[tilespmem:v3+s31+$0x0] =	vst.idx.add.f32.msk vm2, v4  }
0x4d: {  	v5 =	vor.u32 s17, v2;
	[tilespmem:v3+s31+$0x0] =	vst.idx.add.f32.msk vm3, v4  }
0x4e: {  	s16 =	simm.s32 $0x10;
	[tilespmem:v3+s31+$0x0] =	vst.idx.add.f32.msk vm4, v4  }
.LBB2_5:
0x4f: {  	p0 =	sne.s32 s16, $0x188  }
0x50: {  	[tilespmem:v3+s31+$0x0] =	vst.idx.add.f32.msk vm5, v4;
	s24 =	sadd.s32 $0x10, s24;
	s17 =	smov.u32 s16;
	s16 =	sadd.s32 $0x8, s16  }
0x51: {  	[tilespmem:v3+s31+$0x0] =	vst.idx.add.f32.msk vm6, v4  }
0x52: {  	v3 =	vld.idx.msk [tilespmem:v5+s29+$0x0], $0xffff  }
0x53: {  	v4 =	vld.idx.msk [tilespmem:v5+s30+$0x0], $0xffff;
	_ =	sdelay $0x4  }
0x54: {  	v3 =	vshll.u32 v3, $0x1  }
0x55: {  	v4 =	vshll.u32 v4, $0x1;
	v5 =	vor.u32 v1, v3  }
0x56: {  	v3 =	vor.u32 v1, v4;
	_ =	sdelay $0x2  }
0x57: {  	v4 =	vld.idx.msk [tilespmem:v1+s28+$0x0], $0xffff  }
0x58: {  	v5 =	vld.idx.msk [tilespmem:v5+s2+$0x0], $0xffff  }
0x59: {  	v6 =	vld.idx.msk [tilespmem:v3+s26+$0x0], $0xffff;
	_ =	sdelay $0x5  }
0x5a: {  	v5 =	vadd.f32 v6, v5;
	v4 =	vadd.f32 v6, v4;
	_ =	sdelay $0x1  }
0x5b: {  	vm7 =	vge.f32 v5, $0.0e+00;
	v6 =	vmul.f32 $2.000000030e-01, v5;
	v7 =	vmul.f32 $2.000000030e-01, v4  }
0x5c: {  	vm8 =	vge.f32 v4, $0.0e+00  }
0x5d: {  	v5 =	vsel vm7, v5, v6;
	v4 =	vsel vm8, v4, v7  }
0x5e: {  	v4 =	vsub.f32 v5, v4;
	_ =	sdelay $0x1  }
0x5f: {  	v4 =	vmul.f32 $1.442695020e+00, v4;
	_ =	sdelay $0x1  }
0x60: {  	(erf) = vpow2.f32 v4;
	_ =	sdelay $0x8  }
0x61: {  	v4 =	vpop (erf)  }
0x62: {  	[tilespmem:s24+$0x0] =	vst v4  }
0x63: {  	[tilespmem:v3+s31+$0x0] =	vst.idx.add.f32.msk $0x3, v4  }
.Ltmp1:
0x64: {  	[tilespmem:v3+s31+$0x0] =	vst.idx.add.f32.msk vm0, v4;
	(pc) =	sbr.rel @p0 .LBB2_5-.Ltmp1, $4  }
0x65: {  	[tilespmem:v3+s31+$0x0] =	vst.idx.add.f32.msk vm1, v4  }
0x66: {  	v5 =	vor.u32 s17, v2;
	[tilespmem:v3+s31+$0x0] =	vst.idx.add.f32.msk vm2, v4  }
0x67: {  	[tilespmem:v3+s31+$0x0] =	vst.idx.add.f32.msk vm3, v4  }
0x68: {  	[tilespmem:v3+s31+$0x0] =	vst.idx.add.f32.msk vm4, v4  }
0x69: {  	_ =	sdelay $0x4  }
0x6a: {  	[tilespmem:v3+s31+$0x0] =	vst.idx.add.f32.msk vm5, v4  }
0x6b: {  	[tilespmem:v3+s31+$0x0] =	vst.idx.add.f32.msk vm6, v4  }
0x6c: {  	v3 =	vld.idx.msk [tilespmem:v5+s29+$0x0], $0xffff  }
0x6d: {  	v4 =	vld.idx.msk [tilespmem:v5+s30+$0x0], $0xffff;
	_ =	sdelay $0x3  }
0x6e: {  	v3 =	vshll.u32 v3, $0x1  }
0x6f: {  	v4 =	vshll.u32 v4, $0x1;
	v3 =	vor.u32 v1, v3  }
0x70: {  	v4 =	vor.u32 v1, v4;
	_ =	sdelay $0x2  }
0x71: {  	v62 =	vld.idx.msk [tilespmem:v1+s28+$0x0], $0xffff  }
0x72: {  	v3 =	vld.idx.msk [tilespmem:v3+s2+$0x0], $0xffff  }
0x73: {  	v6 =	vld.idx.msk [tilespmem:v4+s26+$0x0], $0xffff;
	_ =	sdelay $0x4  }
0x74: {  	v3 =	vadd.f32 v6, v3;
	v5 =	vadd.f32 v6, v62;
	_ =	sdelay $0x1  }
0x75: {  	v63 =	vmul.f32 $2.000000030e-01, v3;
	v7 =	vmul.f32 $2.000000030e-01, v5  }
0x76: {  	vm7 =	vge.f32 v3, $0.0e+00;
	vm8 =	vge.f32 v5, $0.0e+00  }
0x77: {  	v3 =	vsel vm7, v3, v63;
	v5 =	vsel vm8, v5, v7  }
0x78: {  	v3 =	vsub.f32 v3, v5;
	_ =	sdelay $0x1  }
0x79: {  	v3 =	vmul.f32 $1.442695020e+00, v3;
	_ =	sdelay $0x1  }
0x7a: {  	(erf) = vpow2.f32 v3;
	_ =	sdelay $0x8  }
0x7b: {  	s16 =	sadd.s32 $0x10, s24;
	v3 =	vpop (erf)  }
0x7c: {  	[tilespmem:s16+$0x0] =	vst v3  }
0x7d: {  	[tilespmem:v4+s31+$0x0] =	vst.idx.add.f32.msk $0x3, v3  }
0x7e: {  	[tilespmem:v4+s31+$0x0] =	vst.idx.add.f32.msk vm0, v3  }
0x7f: {  	[tilespmem:v4+s31+$0x0] =	vst.idx.add.f32.msk vm1, v3  }
0x80: {  	[tilespmem:v4+s31+$0x0] =	vst.idx.add.f32.msk vm2, v3  }
0x81: {  	s15 =	sshll.u32 s15, $0x1;
	[tilespmem:v4+s31+$0x0] =	vst.idx.add.f32.msk vm3, v3  }
0x82: {  	s14 =	sadd.s32 $0x1, s14;
	s15 =	sadd.s32 s10, s15;
	[tilespmem:v4+s31+$0x0] =	vst.idx.add.f32.msk vm4, v3  }
0x83: {  	p0 =	sne.s32 s14, $0x32;
	s15 =	sshrl.u32 s15, $0x3;
	[tilespmem:v4+s31+$0x0] =	vst.idx.add.f32.msk vm5, v3  }
.Ltmp2:
0x84: {  	s15 =	sadd.s32 s5, s15;
	[tilespmem:v4+s31+$0x0] =	vst.idx.add.f32.msk vm6, v3;
	(pc) =	sbr.rel @p0 .LBB2_4-.Ltmp2, $4  }
0x85: {  	[hbm4b:s15+s2] =	stream.linear.scatter [tilespmem:s0], [sflag:$0x1], $0x320, $0x38;
	[tilespmem:$0x16300] =	vst v63  }
0x86: {  	_ =	swait.ge [sflag:s25], $0x320  }
0x87: {  	[sflag:s25] =	ssyncset.done $0x0  }
0x88: {  	[sflag:s25] =	ssyncadd.s32 $0xFFFFFCE0  }
0x89: {  	s12 =	rddreg [dreg:$0x7]  }
0x8a: {  	[spmem:s12] =	stream.strided.scatter [tilespmem:s31], [sflag:$0x1], $0x5000, s1, s23, $0x38;
	[tilespmem:$0x16300] =	vst v63  }
0x8b: {  	_ =	swait.ge [sflag:s25], $0x5000  }
0x8c: {  	[sflag:s25] =	ssyncset.done $0x0  }
0x8d: {  	[sflag:s25] =	ssyncadd.s32 $0xFFFFB000  }
0x8e: {  	[bflag:$0x0] =	sbarrier.arrive $0xFFFF  }
0x8f: {  	s17 =	rddreg [dreg:$0x8]  }
0x90: {  	[tilespmem:s6], [sflag:$0x1] =	stream.strided.gather [spmem:s17], $0xA00, s1, s23, $0x38;
	[tilespmem:$0x16300] =	vst v63  }
0x91: {  	_ =	swait.ge [sflag:s25], $0xA00  }
0x92: {  	[sflag:s25] =	ssyncset.done $0x0  }
0x93: {  	s24 =	rddreg [dreg:$0xb];
	[sflag:s25] =	ssyncadd.s32 $0xFFFFF600  }
0x94: {  	[tilespmem:s7], [sflag:$0x1] =	stream.strided.gather [spmem:s24], $0xA00, s1, s23, $0x38;
	[tilespmem:$0x16300] =	vst v63  }
0x95: {  	_ =	swait.ge [sflag:s25], $0xA00  }
0x96: {  	[sflag:s25] =	ssyncset.done $0x0  }
0x97: {  	s12 =	simm.s32 $0x0;
	[sflag:s25] =	ssyncadd.s32 $0xFFFFF600  }
0x98: {  	s14 =	simm.s32 $0x40;
	v3 =	vld [tilespmem:s12+$0xF500]  }
.LBB2_8:
0x99: {  	p0 =	sne.s32 s14, $0x27C0;
	v4 =	vld [tilespmem:s12+$0xFF00];
	_ =	sdelay $0x2  }
.Ltmp3:
0x9a: {  	(pc) =	sbr.rel @p0 .LBB2_8-.Ltmp3, $4  }
0x9b: {  	_ = 	snop  }
0x9c: {  	v4 =	vadd.f32 v3, v4  }
0x9d: {  	s15 =	sshra.s32 s14, $0x2  }
0x9e: {  	s14 =	sadd.s32 $0x40, s14;
	v3 =	vld [tilespmem:s15+$0xF500];
	[tilespmem:s12+$0xFF00] =	vst v4;
	s12 =	smov.u32 s15  }
0x9f: {  	v4 =	vld [tilespmem:s12+$0xFF00];
	_ =	sdelay $0x4  }
0xa0: {  	v3 =	vadd.f32 v3, v4;
	_ =	sdelay $0x1  }
0xa1: {  	s24 =	rddreg [dreg:$0xc];
	[tilespmem:s12+$0xFF00] =	vst v3  }
0xa2: {  	[tilespmem:s7], [sflag:$0x1] =	stream.strided.gather [spmem:s24], $0xA00, s1, s23, $0x38;
	[tilespmem:$0x16300] =	vst v63  }
0xa3: {  	_ =	swait.ge [sflag:s25], $0xA00  }
0xa4: {  	[sflag:s25] =	ssyncset.done $0x0  }
0xa5: {  	s12 =	simm.s32 $0x0;
	[sflag:s25] =	ssyncadd.s32 $0xFFFFF600  }
0xa6: {  	s14 =	simm.s32 $0x40;
	v3 =	vld [tilespmem:s12+$0xF500]  }
.LBB2_10:
0xa7: {  	p0 =	sne.s32 s14, $0x27C0;
	v4 =	vld [tilespmem:s12+$0xFF00];
	_ =	sdelay $0x2  }
.Ltmp4:
0xa8: {  	(pc) =	sbr.rel @p0 .LBB2_10-.Ltmp4, $4  }
0xa9: {  	_ = 	snop  }
0xaa: {  	v4 =	vadd.f32 v3, v4  }
0xab: {  	s15 =	sshra.s32 s14, $0x2  }
0xac: {  	s14 =	sadd.s32 $0x40, s14;
	v3 =	vld [tilespmem:s15+$0xF500];
	[tilespmem:s12+$0xFF00] =	vst v4;
	s12 =	smov.u32 s15  }
0xad: {  	v4 =	vld [tilespmem:s12+$0xFF00];
	_ =	sdelay $0x4  }
0xae: {  	v3 =	vadd.f32 v3, v4;
	_ =	sdelay $0x1  }
0xaf: {  	[tilespmem:s12+$0xFF00] =	vst v3  }
0xb0: {  	[tilespmem:s7], [sflag:$0x1] =	stream.strided.gather [spmem:s18], $0xA00, s1, s23, $0x38;
	[tilespmem:$0x16300] =	vst v63  }
0xb1: {  	_ =	swait.ge [sflag:s25], $0xA00  }
0xb2: {  	[sflag:s25] =	ssyncset.done $0x0  }
0xb3: {  	s12 =	simm.s32 $0x0;
	[sflag:s25] =	ssyncadd.s32 $0xFFFFF600  }
0xb4: {  	s14 =	simm.s32 $0x40;
	v3 =	vld [tilespmem:s12+$0xF500]  }
.LBB2_12:
0xb5: {  	p0 =	sne.s32 s14, $0x27C0;
	v4 =	vld [tilespmem:s12+$0xFF00];
	_ =	sdelay $0x2  }
.Ltmp5:
0xb6: {  	(pc) =	sbr.rel @p0 .LBB2_12-.Ltmp5, $4  }
0xb7: {  	_ = 	snop  }
0xb8: {  	v4 =	vadd.f32 v3, v4  }
0xb9: {  	s15 =	sshra.s32 s14, $0x2  }
0xba: {  	s14 =	sadd.s32 $0x40, s14;
	v3 =	vld [tilespmem:s15+$0xF500];
	[tilespmem:s12+$0xFF00] =	vst v4;
	s12 =	smov.u32 s15  }
0xbb: {  	v4 =	vld [tilespmem:s12+$0xFF00];
	_ =	sdelay $0x4  }
0xbc: {  	v3 =	vadd.f32 v3, v4;
	_ =	sdelay $0x1  }
0xbd: {  	[tilespmem:s12+$0xFF00] =	vst v3  }
0xbe: {  	[tilespmem:s7], [sflag:$0x1] =	stream.strided.gather [spmem:s19], $0xA00, s1, s23, $0x38;
	[tilespmem:$0x16300] =	vst v63  }
0xbf: {  	_ =	swait.ge [sflag:s25], $0xA00  }
0xc0: {  	[sflag:s25] =	ssyncset.done $0x0  }
0xc1: {  	s12 =	simm.s32 $0x0;
	[sflag:s25] =	ssyncadd.s32 $0xFFFFF600  }
0xc2: {  	s14 =	simm.s32 $0x40;
	v3 =	vld [tilespmem:s12+$0xF500]  }
.LBB2_14:
0xc3: {  	p0 =	sne.s32 s14, $0x27C0;
	v4 =	vld [tilespmem:s12+$0xFF00];
	_ =	sdelay $0x2  }
.Ltmp6:
0xc4: {  	(pc) =	sbr.rel @p0 .LBB2_14-.Ltmp6, $4  }
0xc5: {  	_ = 	snop  }
0xc6: {  	v4 =	vadd.f32 v3, v4  }
0xc7: {  	s15 =	sshra.s32 s14, $0x2  }
0xc8: {  	s14 =	sadd.s32 $0x40, s14;
	v3 =	vld [tilespmem:s15+$0xF500];
	[tilespmem:s12+$0xFF00] =	vst v4;
	s12 =	smov.u32 s15  }
0xc9: {  	v4 =	vld [tilespmem:s12+$0xFF00];
	_ =	sdelay $0x4  }
0xca: {  	v3 =	vadd.f32 v3, v4;
	_ =	sdelay $0x1  }
0xcb: {  	[tilespmem:s12+$0xFF00] =	vst v3  }
0xcc: {  	[tilespmem:s7], [sflag:$0x1] =	stream.strided.gather [spmem:s20], $0xA00, s1, s23, $0x38;
	[tilespmem:$0x16300] =	vst v63  }
0xcd: {  	_ =	swait.ge [sflag:s25], $0xA00  }
0xce: {  	[sflag:s25] =	ssyncset.done $0x0  }
0xcf: {  	s12 =	simm.s32 $0x0;
	[sflag:s25] =	ssyncadd.s32 $0xFFFFF600  }
0xd0: {  	s14 =	simm.s32 $0x40;
	v3 =	vld [tilespmem:s12+$0xF500]  }
.LBB2_16:
0xd1: {  	p0 =	sne.s32 s14, $0x27C0;
	v4 =	vld [tilespmem:s12+$0xFF00];
	_ =	sdelay $0x2  }
.Ltmp7:
0xd2: {  	(pc) =	sbr.rel @p0 .LBB2_16-.Ltmp7, $4  }
0xd3: {  	_ = 	snop  }
0xd4: {  	v4 =	vadd.f32 v3, v4  }
0xd5: {  	s15 =	sshra.s32 s14, $0x2  }
0xd6: {  	s14 =	sadd.s32 $0x40, s14;
	v3 =	vld [tilespmem:s15+$0xF500];
	[tilespmem:s12+$0xFF00] =	vst v4;
	s12 =	smov.u32 s15  }
0xd7: {  	v4 =	vld [tilespmem:s12+$0xFF00];
	_ =	sdelay $0x4  }
0xd8: {  	v3 =	vadd.f32 v3, v4;
	_ =	sdelay $0x1  }
0xd9: {  	[tilespmem:s12+$0xFF00] =	vst v3  }
0xda: {  	[tilespmem:s7], [sflag:$0x1] =	stream.strided.gather [spmem:s21], $0xA00, s1, s23, $0x38;
	[tilespmem:$0x16300] =	vst v63  }
0xdb: {  	_ =	swait.ge [sflag:s25], $0xA00  }
0xdc: {  	[sflag:s25] =	ssyncset.done $0x0  }
0xdd: {  	s12 =	simm.s32 $0x0;
	[sflag:s25] =	ssyncadd.s32 $0xFFFFF600  }
0xde: {  	s14 =	simm.s32 $0x40;
	v3 =	vld [tilespmem:s12+$0xF500]  }
.LBB2_18:
0xdf: {  	p0 =	sne.s32 s14, $0x27C0;
	v4 =	vld [tilespmem:s12+$0xFF00];
	_ =	sdelay $0x2  }
.Ltmp8:
0xe0: {  	(pc) =	sbr.rel @p0 .LBB2_18-.Ltmp8, $4  }
0xe1: {  	_ = 	snop  }
0xe2: {  	v4 =	vadd.f32 v3, v4  }
0xe3: {  	s15 =	sshra.s32 s14, $0x2  }
0xe4: {  	s14 =	sadd.s32 $0x40, s14;
	v3 =	vld [tilespmem:s15+$0xF500];
	[tilespmem:s12+$0xFF00] =	vst v4;
	s12 =	smov.u32 s15  }
0xe5: {  	v4 =	vld [tilespmem:s12+$0xFF00];
	_ =	sdelay $0x4  }
0xe6: {  	v3 =	vadd.f32 v3, v4;
	_ =	sdelay $0x1  }
0xe7: {  	[tilespmem:s12+$0xFF00] =	vst v3  }
0xe8: {  	[tilespmem:s7], [sflag:$0x1] =	stream.strided.gather [spmem:s22], $0xA00, s1, s23, $0x38;
	[tilespmem:$0x16300] =	vst v63  }
0xe9: {  	_ =	swait.ge [sflag:s25], $0xA00  }
0xea: {  	[sflag:s25] =	ssyncset.done $0x0  }
0xeb: {  	s12 =	simm.s32 $0x0;
	[sflag:s25] =	ssyncadd.s32 $0xFFFFF600  }
0xec: {  	s15 =	simm.s32 $0x40;
	s14 =	simm.s32 $0x0;
	v3 =	vld [tilespmem:s12+$0xF500]  }
.LBB2_20:
0xed: {  	p0 =	sne.s32 s15, $0x27C0;
	v4 =	vld [tilespmem:s14+$0xFF00];
	_ =	sdelay $0x2  }
.Ltmp9:
0xee: {  	(pc) =	sbr.rel @p0 .LBB2_20-.Ltmp9, $4  }
0xef: {  	_ = 	snop  }
0xf0: {  	v4 =	vadd.f32 v3, v4  }
0xf1: {  	s16 =	sshra.s32 s15, $0x2  }
0xf2: {  	s15 =	sadd.s32 $0x40, s15;
	v3 =	vld [tilespmem:s16+$0xF500];
	[tilespmem:s14+$0xFF00] =	vst v4;
	s14 =	smov.u32 s16  }
0xf3: {  	v4 =	vld [tilespmem:s14+$0xFF00];
	_ =	sdelay $0x4  }
0xf4: {  	v3 =	vadd.f32 v3, v4;
	_ =	sdelay $0x1  }
0xf5: {  	[tilespmem:s14+$0xFF00] =	vst v3;
	s14 =	simm.s32 $0x40  }
.LBB2_22:
0xf6: {  	p0 =	sne.s32 s14, $0x27C0;
	v3 =	vld [tilespmem:s12+$0xFF00];
	_ =	sdelay $0x4  }
0xf7: {  	v3 =	vmax.f32 v3, $9.999999710e-10  }
0xf8: {  	(erf) = vrcp.f32 v3;
	_ =	sdelay $0x5  }
.Ltmp10:
0xf9: {  	(pc) =	sbr.rel @p0 .LBB2_22-.Ltmp10, $3  }
0xfa: {  	_ =	sdelay $0x1  }
0xfb: {  	v3 =	vpop (erf)  }
0xfc: {  	[tilespmem:s12+$0xFF00] =	vst v3;
	s12 =	sshra.s32 s14, $0x2;
	s14 =	sadd.s32 $0x40, s14  }
0xfd: {  	v3 =	vld [tilespmem:s12+$0xFF00];
	_ =	sdelay $0x4  }
0xfe: {  	v3 =	vmax.f32 v3, $9.999999710e-10  }
0xff: {  	(erf) = vrcp.f32 v3;
	_ =	sdelay $0x8  }
0x100: {  	v3 =	vpop (erf)  }
0x101: {  	s24 =	rddreg [dreg:$0x9];
	[tilespmem:s12+$0xFF00] =	vst v3  }
0x102: {  	[spmem:s24] =	stream.strided.scatter [tilespmem:s6], [sflag:$0x1], $0xA00, s8, s23, $0x38;
	[tilespmem:$0x16300] =	vst v63  }
0x103: {  	_ =	swait.ge [sflag:s25], $0xA00  }
0x104: {  	[sflag:s25] =	ssyncset.done $0x0  }
0x105: {  	[sflag:s25] =	ssyncadd.s32 $0xFFFFF600  }
0x106: {  	[bflag:$0x0] =	sbarrier.arrive $0xFFFF  }
0x107: {  	[tilespmem:s31], [sflag:$0x1] =	stream.strided.gather [spmem:s13], $0x5000, s8, s23, $0x38;
	[tilespmem:$0x16300] =	vst v63  }
0x108: {  	_ =	swait.ge [sflag:s25], $0x5000  }
0x109: {  	[sflag:s25] =	ssyncset.done $0x0  }
0x10a: {  	s14 =	simm.s32 $0x0;
	s12 =	simm.s32 $0x0;
	[sflag:s25] =	ssyncadd.s32 $0xFFFFB000  }
.LBB2_24:
0x10b: {  	s15 =	smul.u32 $0x190, s14;
	_ =	sdelay $0x1  }
0x10c: {  	s15 =	sadd.s32 s9, s15  }
0x10d: {  	s16 =	sshrl.u32 s15, $0x3  }
0x10e: {  	s15 =	sshll.u32 s15, $0x1;
	s16 =	sadd.s32 s4, s16  }
0x10f: {  	[tilespmem:s30], [sflag:$0x1] =	stream.linear.gather [hbm4b:s16+s12], $0x190, $0x38;
	[tilespmem:$0x16300] =	vst v63  }
0x110: {  	s15 =	sadd.s32 s10, s15;
	_ =	swait.ge [sflag:s25], $0x190  }
0x111: {  	s15 =	sshrl.u32 s15, $0x3;
	[sflag:s25] =	ssyncset.done $0x0  }
0x112: {  	v3 =	vor.u32 s12, v2;
	s16 =	simm.s32 $0xF180;
	s15 =	sadd.s32 s5, s15;
	[sflag:s25] =	ssyncadd.s32 $0xFFFFFE70  }
0x113: {  	[tilespmem:s16], [sflag:$0x1] =	stream.linear.gather [hbm4b:s15+s12], $0x320, $0x38;
	[tilespmem:$0x16300] =	vst v63  }
0x114: {  	_ =	swait.ge [sflag:s25], $0x320  }
0x115: {  	[sflag:s25] =	ssyncset.done $0x0  }
0x116: {  	[sflag:s25] =	ssyncadd.s32 $0xFFFFFCE0  }
0x117: {  	v3 =	vld.idx.msk [tilespmem:v3+s30+$0x0], $0xffff;
	_ =	sdelay $0x4  }
0x118: {  	v3 =	vshll.u32 v3, $0x1  }
0x119: {  	v3 =	vor.u32 v1, v3;
	_ =	sdelay $0x3  }
0x11a: {  	v5 =	vld [tilespmem:s16+$0x0]  }
0x11b: {  	v3 =	vld.idx.msk [tilespmem:v3+s31+$0x0], $0xffff;
	_ =	sdelay $0x1  }
0x11c: {  	s17 =	simm.s32 $0x8  }
0x11d: {  	v4 =	vor.u32 s17, v2;
	s17 =	simm.s32 $0x10  }
.LBB2_25:
0x11e: {  	p0 =	sne.s32 s17, $0x188  }
0x11f: {  	v3 =	vmul.f32 v5, v3;
	_ =	sdelay $0x1  }
0x120: {  	[tilespmem:s16+$0x0] =	vst v3  }
0x121: {  	v3 =	vld.idx.msk [tilespmem:v4+s30+$0x0], $0xffff;
	_ =	sdelay $0x5  }
0x122: {  	v3 =	vshll.u32 v3, $0x1  }
0x123: {  	v3 =	vor.u32 v1, v3;
	_ =	sdelay $0x4  }
.Ltmp11:
0x124: {  	s16 =	sadd.s32 $0x10, s16;
	v3 =	vld.idx.msk [tilespmem:v3+s31+$0x0], $0xffff;
	(pc) =	sbr.rel @p0 .LBB2_25-.Ltmp11, $2  }
0x125: {  	v5 =	vld [tilespmem:s16+$0x0];
	_ =	sdelay $0x2  }
0x126: {  	v4 =	vor.u32 s17, v2;
	s17 =	sadd.s32 $0x8, s17  }
0x127: {  	_ = 	snop  }
0x128: {  	v3 =	vmul.f32 v5, v3;
	_ =	sdelay $0x1  }
0x129: {  	[tilespmem:s16+$0x0] =	vst v3  }
0x12a: {  	v3 =	vld.idx.msk [tilespmem:v4+s30+$0x0], $0xffff;
	_ =	sdelay $0x4  }
0x12b: {  	v3 =	vshll.u32 v3, $0x1  }
0x12c: {  	v3 =	vor.u32 v1, v3;
	_ =	sdelay $0x2  }
0x12d: {  	s24 =	sadd.s32 $0x10, s16  }
0x12e: {  	v63 =	vld [tilespmem:s24+$0x0]  }
0x12f: {  	v3 =	vld.idx.msk [tilespmem:v3+s31+$0x0], $0xffff;
	_ =	sdelay $0x4  }
0x130: {  	s14 =	sadd.s32 $0x1, s14;
	v3 =	vmul.f32 v63, v3  }
0x131: {  	p0 =	sne.s32 s14, $0x32  }
.Ltmp12:
0x132: {  	[tilespmem:s24+$0x0] =	vst v3;
	(pc) =	sbr.rel @p0 .LBB2_24-.Ltmp12, $4  }
0x133: {  	[hbm4b:s15+s2] =	stream.linear.scatter [tilespmem:s0], [sflag:$0x1], $0x320, $0x38;
	[tilespmem:$0x16300] =	vst v63  }
0x134: {  	_ =	swait.ge [sflag:s25], $0x320  }
0x135: {  	[sflag:s25] =	ssyncset.done $0x0  }
0x136: {  	[sflag:s25] =	ssyncadd.s32 $0xFFFFFCE0  }
0x137: {  	s11 =	sadd.s32 $0x1, s11;
	s12 =	rddreg [dreg:$0xa]  }
0x138: {  	p0 =	sne.s32 s11, s12  }
.Ltmp13:
0x139: {  	_ = 	snop;
	(pc) =	sbr.rel @p0 .LBB2_1-.Ltmp13, $1  }
0x13a: {  	_ =	sdelay $0x3  }
0x13b: {  	_ =	sfence.sel $0x180000  }
0x13c: {  	[bflag:$0x0] =	sbarrier.arrive $0xFFFF  }
0x13d: {  	_ =	strace $0x90000047  }
0x13e: {  	s0 =	stileid.u32;
	[bflag:$0x2] =	sbarrier.arrive $0xFFFF  }
0x13f: {  	p0 =	sne.s32 s0, $0x0;
	s0 =	rddreg [dreg:$0x3]  }
0x140: {  	s0 =	sadd.s32 @!p0 $0x100000, s0  }
0x141: {  	[sflag:s0] =	ssyncadd.tile.s32 @!p0 $0x1;
	_ =	shalt  }
.Lfunc_end2:
_tile_overlayer_lowered:
.L_overlay_start_2:
0x142: {  	(tag) =	ssettag $0x2  }
0x143: {  	s0 =	rddreg [dreg:$0x0];
	s2 =	stileid.u32  }
0x144: {  	s1 =	rddreg [dreg:$0x1];
	p0 =	sne.s32 s2, $0x0  }
0x145: {  	s3 =	rddreg [dreg:$0x2];
	[bflag:$0x3] =	sbarrier.arrive $0xFFFF;
	s2 =	simm.s32 @!p0 $0x1C01  }
0x146: {  	[timem:s3], [sflag:s2] =	dma.local @!p0 [hbm:s0], s1  }
0x147: {  	s0 =	simm.s32 @!p0 $0x1  }
0x148: {  	_ =	swait.ge @!p0 [sflag:s0], s1  }
0x149: {  	s1 =	ssub.s32 @!p0 $0x0, s1;
	[sflag:s0] =	ssyncset.done @!p0 $0x0  }
0x14a: {  	[sflag:s0] =	ssyncadd.s32 @!p0 s1  }
0x14b: {  	[bflag:$0x3] =	sbarrier.arrive $0xFFFF  }
0x14c: {  	_ =	shalt  }

// kernel: kernel.9.cloned.1.call-start
scs
__scs_entry_jumppad:
0x0: {  	(pc) =	sbr.rel $0x88, $3  }
0x1: {  	(tag) =	ssettag $0x0;
	lr =	simm.s32 $0x1  }
0x2: {  	[smem:$0x3F95] =	sst lr;
	_ =	strace $0xD0000000  }
0x3: {  	_ = 	snop  }
0x4: {  	_ = 	snop  }
0x5: {  	_ = 	snop  }
0x6: {  	_ = 	snop  }
0x7: {  	_ = 	snop  }
__scs_overlays_trampoline_lowered:
0x8: {  	[smem:$0x3FA4] =	sst s0  }
0x9: {  	[smem:$0x3FA5] =	sst s1  }
0xa: {  	[smem:$0x3FA6] =	sst s2  }
0xb: {  	[smem:$0x3FA7] =	sst s3  }
0xc: {  	[smem:$0x3FA8] =	sst s4  }
0xd: {  	[smem:$0x3FA9] =	sst s5  }
0xe: {  	[smem:$0x3FAA] =	sst s6  }
0xf: {  	[smem:$0x3FAB] =	sst s7  }
0x10: {  	[smem:$0x3FAC] =	sst s8  }
0x11: {  	[smem:$0x3FAD] =	sst s9;
	s0 =	simm.s32 @!p0 $0x0  }
0x12: {  	s1 =	sld [smem:$0x3F93];
	s0 =	simm.s32 @p0 $0x1  }
0x13: {  	[smem:$0x3FAE] =	sst s0;
	s0 =	simm.s32 @!p1 $0x0  }
0x14: {  	s2 =	sld [smem:$0x3F92];
	s0 =	simm.s32 @p1 $0x1  }
0x15: {  	[smem:$0x3FAF] =	sst s0;
	s0 =	simm.s32 @!p2 $0x0  }
0x16: {  	s3 =	sld [smem:$0x3FDB];
	s0 =	simm.s32 @p2 $0x1  }
0x17: {  	s4 =	simm.s32 $0x1BF5;
	[smem:$0x3FB1] =	sst s0  }
0x18: {  	s0 =	sld [smem:$0x3F94];
	_ =	swait.ge [sflag:s4], $0x0  }
0x19: {  	s7 =	sld [smem:$0x3F95]  }
0x1a: {  	s8 =	sadd.s32 $0xFFFFE003, lr  }
0x1b: {  	s9 =	sadd.s32 $0xFFFFFEF7, lr;
	s5 =	simm.s32 $0xFFFFFFFF;
	p2 =	slt.u32 s8, $0xFFFFF086  }
0x1c: {  	p1 =	slt.u32 s9, $0xF7A;
	s5 =	simm.s32 @!p2 $0x0  }
0x1d: {  	s5 =	simm.s32 @p1 $0x1;
	p0 =	seq.s32 s7, s2  }
0x1e: {  	s7 =	smul.u32 @!p0 $0xF7A, s2;
	p2 =	seq.s32 @!p0 s5, $0x0  }
0x1f: {  	s9 =	smul.u32 $0xF7A, s1;
	s8 =	simm.s32 @!p0 $0x1BF5;
	p2 =	por !p2, p0  }
0x20: {  	[sflag:s8] =	ssyncset.s32 @!p0 $0xFFFFF086;
	s6 =	sadd.s32 @!p0 s3, s7;
	s7 =	simm.s32 @!p0 $0x108  }
0x21: {  	s3 =	sadd.s32 s3, s9;
	s6 =	sadd.s32 @!p0 $0x88, s6;
	s7 =	simm.s32 @p2 $0x1082  }
0x22: {  	[simem:s7], [sflag:s8] =	dma.local @!p0 [hbm:s6], $0xF7A  }
0x23: {  	s9 =	sor.u32 $0xD0000000, s2;
	s6 =	simm.s32 $0x108;
	_ =	swait.ge @!p0 [sflag:s8], $0x0  }
0x24: {  	s3 =	sadd.s32 $0x88, s3;
	s6 =	simm.s32 @!p1 $0x1082;
	[sflag:s4] =	ssyncset.s32 $0xFFFFF086  }
0x25: {  	[simem:s6], [sflag:s4] =	dma.local [hbm:s3], $0xF7A  }
0x26: {  	[smem:$0x3F95] =	sst s1;
	(tag) =	ssettag s2;
	_ =	strace s9  }
0x27: {  	s1 =	sld [smem:$0x3FA5]  }
0x28: {  	s2 =	sld [smem:$0x3FA6]  }
0x29: {  	s4 =	sld [smem:$0x3FA8]  }
0x2a: {  	p0 =	seq.s32 s5, $0x0;
	s5 =	sld [smem:$0x3FA9]  }
0x2b: {  	s6 =	sld [smem:$0x3FAA]  }
0x2c: {  	s7 =	sld [smem:$0x3FAB]  }
0x2d: {  	s3 =	simm.s32 $0x108;
	s8 =	sld [smem:$0x3FAC]  }
0x2e: {  	s3 =	simm.s32 @!p0 $0x1082;
	s9 =	sld [smem:$0x3FAD]  }
0x2f: {  	lr =	sadd.s32 s0, s3;
	s0 =	sld [smem:$0x3FA4]  }
0x30: {  	s3 =	sld [smem:$0x3FA7]  }
0x31: {  	[smem:$0x3FB0] =	sst s10  }
0x32: {  	s10 =	sld [smem:$0x3FAE];
	_ =	sdelay $0x3  }
0x33: {  	p0 =	seq.s32 s10, $0x1;
	s10 =	sld [smem:$0x3FB0];
	_ =	sdelay $0x3  }
0x34: {  	[smem:$0x3FB0] =	sst s10  }
0x35: {  	s10 =	sld [smem:$0x3FAF];
	_ =	sdelay $0x3  }
0x36: {  	p1 =	seq.s32 s10, $0x1;
	s10 =	sld [smem:$0x3FB0];
	_ =	sdelay $0x3  }
0x37: {  	[smem:$0x3FB0] =	sst s10  }
0x38: {  	s10 =	sld [smem:$0x3FB1]  }
0x39: {  	_ = 	snop;
	(pc) =	sbr.ind lr, $3  }
0x3a: {  	_ = 	snop  }
0x3b: {  	_ = 	snop  }
0x3c: {  	p2 =	seq.s32 s10, $0x1;
	s10 =	sld [smem:$0x3FB0]  }
0x3d: {  	_ =	shalt  }
0x3e: {  	_ =	shalt  }
0x3f: {  	_ =	shalt  }
0x40: {  	_ =	shalt  }
0x41: {  	_ =	shalt  }
0x42: {  	_ =	shalt  }
0x43: {  	_ =	shalt  }
0x44: {  	_ =	shalt  }
0x45: {  	_ =	shalt  }
0x46: {  	_ =	shalt  }
0x47: {  	_ =	shalt  }
0x48: {  	_ =	shalt  }
0x49: {  	_ =	shalt  }
0x4a: {  	_ =	shalt  }
0x4b: {  	_ =	shalt  }
0x4c: {  	_ =	shalt  }
0x4d: {  	_ =	shalt  }
0x4e: {  	_ =	shalt  }
0x4f: {  	_ =	shalt  }
0x50: {  	_ =	shalt  }
0x51: {  	_ =	shalt  }
0x52: {  	_ =	shalt  }
0x53: {  	_ =	shalt  }
0x54: {  	_ =	shalt  }
0x55: {  	_ =	shalt  }
0x56: {  	_ =	shalt  }
0x57: {  	_ =	shalt  }
0x58: {  	_ =	shalt  }
0x59: {  	_ =	shalt  }
0x5a: {  	_ =	shalt  }
0x5b: {  	_ =	shalt  }
0x5c: {  	_ =	shalt  }
0x5d: {  	_ =	shalt  }
0x5e: {  	_ =	shalt  }
0x5f: {  	_ =	shalt  }
0x60: {  	_ =	shalt  }
0x61: {  	_ =	shalt  }
0x62: {  	_ =	shalt  }
0x63: {  	_ =	shalt  }
0x64: {  	_ =	shalt  }
0x65: {  	_ =	shalt  }
0x66: {  	_ =	shalt  }
0x67: {  	_ =	shalt  }
0x68: {  	_ =	shalt  }
0x69: {  	_ =	shalt  }
0x6a: {  	_ =	shalt  }
0x6b: {  	_ =	shalt  }
0x6c: {  	_ =	shalt  }
0x6d: {  	_ =	shalt  }
0x6e: {  	_ =	shalt  }
0x6f: {  	_ =	shalt  }
0x70: {  	_ =	shalt  }
0x71: {  	_ =	shalt  }
0x72: {  	_ =	shalt  }
0x73: {  	_ =	shalt  }
0x74: {  	_ =	shalt  }
0x75: {  	_ =	shalt  }
0x76: {  	_ =	shalt  }
0x77: {  	_ =	shalt  }
0x78: {  	_ =	shalt  }
0x79: {  	_ =	shalt  }
0x7a: {  	_ =	shalt  }
0x7b: {  	_ =	shalt  }
0x7c: {  	_ =	shalt  }
0x7d: {  	_ =	shalt  }
0x7e: {  	_ =	shalt  }
0x7f: {  	_ =	shalt  }
0x80: {  	_ =	shalt  }
0x81: {  	_ =	shalt  }
0x82: {  	_ =	shalt  }
0x83: {  	_ =	shalt  }
0x84: {  	_ =	shalt  }
0x85: {  	_ =	shalt  }
0x86: {  	_ =	shalt  }
0x87: {  	_ =	shalt  }
.Lfunc_end0:
.L_simem_size_0:
called_computation.1_lowered:
.L_overlay_start_0:
0x88: {  	s2 =	sld [smem:$0x3FD9]  }
0x89: {  	s3 =	sld [smem:$0x3FFE];
	_ =	sdelay $0x1  }
0x8a: {  	s1 =	srdreg.scid  }
0x8b: {  	s0 =	sand.u32 $0x1, s1  }
0x8c: {  	s17 =	sshll.u32 s0, $0xA;
	s2 =	sadd.s32 s3, s2  }
0x8d: {  	s2 =	sadd.s32 s2, s17  }
0x8e: {  	[smem:$0x3FBC] =	sst s2  }
0x8f: {  	_ = 	snop  }
0x90: {  	s2 =	sld [smem:$0x3FD0];
	(tm) =	ssettm $0x1  }
0x91: {  	s18 =	sld [smem:$0x3FFB];
	_ =	sdelay $0x3  }
0x92: {  	_ =	strace s18  }
0x93: {  	s3 =	sld [smem:$0x3FFC];
	_ =	sdelay $0x3  }
0x94: {  	_ =	strace s3  }
0x95: {  	s3 =	sld [smem:$0x3FFD];
	_ =	sdelay $0x3  }
0x96: {  	_ =	strace s3  }
0x97: {  	_ =	strace $0x8FFFFFFF  }
0x98: {  	s19 =	sld [smem:$0x3FDB];
	_ =	sdelay $0x1  }
0x99: {  	s4 =	simm.s32 $_scs_section_size  }
0x9a: {  	s5 =	simm.s32 $_size__tile_overlayer_lowered;
	s6 =	simm.s32 $_tile_overlayer_lowered  }
0x9b: {  	s22 =	simm.s32 $0x1BFF;
	s21 =	sshll.u32 s6, $0x1;
	s3 =	sadd.s32 s4, s19  }
0x9c: {  	s7 =	simm.s32 $0x0;
	s20 =	sshll.u32 s5, $0x1;
	s5 =	sadd.s32 s21, s3  }
0x9d: {  	[timem:s7], [sflag:s22] =	dma.local [hbm:s5], s20  }
0x9e: {  	_ =	swait.ge [sflag:s22], s20  }
0x9f: {  	s4 =	ssub.s32 $0x0, s20;
	[sflag:s22] =	ssyncset.done $0x0  }
0xa0: {  	[sflag:s22] =	ssyncadd.s32 s4;
	_ =	sdelay $0x1  }
0xa1: {  	s23 =	simm.s32 $0x1B8B  }
0xa2: {  	_ =	swait.ge [sflag:s23], $0x1  }
0xa3: {  	[sflag:s23] =	ssyncset.done $0x0  }
0xa4: {  	s25 =	simm.s32 $0x1B8E;
	s24 =	sld [smem:$0x3FFE];
	[sflag:s23] =	ssyncadd.s32 $0xFFFFFFFF  }
0xa5: {  	s26 =	simm.s32 $execute0_lowered;
	[smem:$0x3FD2] =	sst s25  }
0xa6: {  	s5 =	sshll.u32 s26, $0x1;
	_ =	strace $0x80000049;
	[dreg:$0x1] =	wrdreg $0xFFFFFFFF  }
0xa7: {  	s28 =	simm.s32 $_size_execute0_lowered;
	s3 =	sadd.s32 s3, s5;
	[dreg:$0x0] =	wrdreg $0x0  }
0xa8: {  	s5 =	sshll.u32 s28, $0x1;
	[dreg:$0x2] =	wrdreg s3  }
0xa9: {  	[dreg:$0x3] =	wrdreg s5  }
0xaa: {  	[dreg:$0x4] =	wrdreg $0xC0  }
0xab: {  	_ =	task [dreg:s7], $0x5FFFF  }
0xac: {  	[dreg:$0x1] =	wrdreg $0xFFFFFFFF  }
0xad: {  	[dreg:$0x0] =	wrdreg $0x60  }
0xae: {  	[dreg:$0x2] =	wrdreg s2  }
0xaf: {  	[dreg:$0x3] =	wrdreg s24  }
0xb0: {  	[dreg:$0x4] =	wrdreg $0x2B000  }
0xb1: {  	[dreg:$0x5] =	wrdreg $0x9  }
0xb2: {  	_ =	task.clear_ibuf [dreg:s7], $0x6FFFF;
	_ =	strace $0x90000049  }
0xb3: {  	s29 =	simm.s32 $0x9;
	_ =	strace $0x8000004B  }
0xb4: {  	_ =	swait.ge [sflag:s29], $0x1  }
0xb5: {  	[sflag:s29] =	ssyncadd.s32 $0xFFFFFFFF  }
0xb6: {  	_ =	strace $0x9000004B  }
0xb7: {  	_ =	sfence  }
0xb8: {  	s30 =	sld [smem:$0x0];
	_ =	sdelay $0x2  }
0xb9: {  	s31 =	sshll.u32 s1, $0xD;
	s1 =	sshrl.u32 s1, $0x2  }
0xba: {  	s3 =	sand.u32 $0x4000, s31;
	s1 =	sadd.s32 s1, s30  }
0xbb: {  	s0 =	sor.u32 s3, s0;
	s1 =	sshll.u32 s1, $0x11  }
0xbc: {  	s0 =	sor.u32 s1, s0  }
0xbd: {  	s0 =	sadd.s32 $0x8F2B, s0  }
0xbe: {  	[sflag:s0] =	ssyncadd.remote.s32 $0x1  }
0xbf: {  	_ =	sfence.sel $0xFFFF  }
0xc0: {  	[dreg:$0x0] =	wrdreg $0xFFFFFFFF;
	(pc) =	sbr.abs _section_cstart, $3  }
0xc1: {  	[dreg:$0x1] =	wrdreg $0xFFFFFFFF  }
0xc2: {  	_ =	task.clear_ibuf [dreg:s7], $0x2FFFF;
	_ =	strace $0x9FFFFFFF  }
0xc3: {  	(tm) =	ssettm $0x7FFFFFFF  }
tec
execute0_lowered:
.L_overlay_start_1:
0x0: {  	(tag) =	ssettag $0x1  }
0x1: {  	s1 =	rddreg [dreg:$0x0]  }
0x2: {  	s0 =	rddreg [dreg:$0x1]  }
0x3: {  	s3 =	rddreg [dreg:$0x2]  }
0x4: {  	s4 =	simm.s32 $0x0;
	s2 =	srdreg.scid;
	s23 =	stileid.u32  }
0x5: {  	s24 =	simm.s32 $0x2800;
	s25 =	simm.s32 $0x2880;
	s28 =	simm.s32 $0x2A00  }
0x6: {  	s29 =	simm.s32 $0x50;
	s30 =	simm.s32 $0x0;
	s31 =	simm.s32 $0x0  }
0x7: {  	[smem:$0x7FF] =	sst s4;
	s2 =	sand.u32 $0x1, s2;
	s5 =	smul.u32 $0x2710, s23  }
0x8: {  	s6 =	sadd.s32 $0xCA00, s0;
	s8 =	sadd.s32 $0x7A00, s0;
	s13 =	smul.u32 $0x14000, s23  }
0x9: {  	s9 =	sadd.s32 $0x11A00, s0;
	s0 =	sadd.s32 $0x38C00, s0;
	s26 =	smul.u32 $0x50000, s23  }
0xa: {  	s14 =	sadd.s32 $0x12C000, s3;
	p0 =	seq.s32 s23, $0xF;
	s7 =	smul.u32 $0x9C400, s2  }
0xb: {  	s23 =	simm.s32 $0x1;
	s10 =	ssub.s32 $0x2, s2;
	s11 =	smul.u32 $0x138800, s2  }
0xc: {  	_ =	strace $0x8000004A;
	s2 =	smul.u32 $0x2710, s2;
	s12 =	sshrl.u32 s10, $0x1  }
0xd: {  	s15 =	ssub.s32 s10, s12;
	s10 =	sadd.s32 $0x4E200, s7;
	s13 =	sadd.s32 s13, s11  }
0xe: {  	s12 =	sshrl.u32 s26, $0x2;
	s11 =	sshrl.u32 s11, $0x3;
	s26 =	simm.s32 $0x2900  }
0xf: {  	s13 =	sshrl.u32 s13, $0x3;
	s12 =	sadd.s32 s12, s3;
	s15 =	smax.u32 s15, $0x1  }
0x10: {  	s13 =	sadd.s32 s0, s13;
	s0 =	sadd.s32 s0, s11;
	s16 =	sadd.s32 $0x2800, s12  }
0x11: {  	s17 =	sadd.s32 $0x5000, s12;
	s18 =	sadd.s32 $0x7800, s12;
	s19 =	sadd.s32 $0xA000, s12  }
0x12: {  	s20 =	sadd.s32 $0xC800, s12;
	s21 =	sadd.s32 $0xF000, s12;
	s22 =	sadd.s32 $0x11800, s12  }
0x13: {  	s11 =	sadd.s32 $0x131000, s3;
	[dreg:$0x4] =	wrdreg s13;
	s0 =	sadd.s32 $0x25800, s0  }
0x14: {  	s20 =	smov.u32 @p0 s11;
	[dreg:$0x5] =	wrdreg s0;
	s0 =	sadd.s32 $0x12E800, s3  }
0x15: {  	s11 =	sadd.s32 $0x136000, s3;
	s19 =	smov.u32 @p0 s0;
	s0 =	sadd.s32 $0x133800, s3  }
0x16: {  	v1 =	vimm.f32 $0.0e+00;
	v0 =	vmov s2;
	s18 =	smov.u32 @p0 s14;
	s22 =	smov.u32 @p0 s11;
	s21 =	smov.u32 @p0 s0  }
.LBB2_1:
0x17: {  	s0 =	simm.s32 $0x10;
	s2 =	sand.u32 $0x3FF0, s4  }
.LBB2_2:
0x18: {  	p1 =	sne.s32 s0, $0x27F0;
	[tilespmem:s2+$0x0] =	vst v1;
	s2 =	smov.u32 s0;
	s0 =	sadd.s32 $0x10, s0  }
.Ltmp0:
0x19: {  	(pc) =	sbr.rel @p1 .LBB2_2-.Ltmp0, $2  }
0x1a: {  	_ =	sdelay $0x2  }
0x1b: {  	s2 =	sand.u32 $0x3FF0, s2  }
0x1c: {  	[tilespmem:s2+$0x0] =	vst v1;
	s0 =	simm.s32 @!p0 $0x0;
	s2 =	simm.s32 @!p0 $0x1  }
0x1d: {  	[spmem:s12] =	stream.linear.scatter @!p0 [tilespmem:s0], [sflag:$0x1], $0x2800, $0x38;
	[tilespmem:$0x16380] =	vst v63  }
0x1e: {  	_ =	swait.ge @!p0 [sflag:s2], $0x2800  }
0x1f: {  	[sflag:s2] =	ssyncset.done @!p0 $0x0  }
0x20: {  	[sflag:s2] =	ssyncadd.s32 @!p0 $0xFFFFD800  }
0x21: {  	[spmem:s16] =	stream.linear.scatter @!p0 [tilespmem:s0], [sflag:$0x1], $0x2800, $0x38;
	[tilespmem:$0x16380] =	vst v63  }
0x22: {  	_ =	swait.ge @!p0 [sflag:s2], $0x2800  }
0x23: {  	[sflag:s2] =	ssyncset.done @!p0 $0x0  }
0x24: {  	[sflag:s2] =	ssyncadd.s32 @!p0 $0xFFFFD800  }
0x25: {  	[spmem:s17] =	stream.linear.scatter @!p0 [tilespmem:s0], [sflag:$0x1], $0x2800, $0x38;
	[tilespmem:$0x16380] =	vst v63  }
0x26: {  	_ =	swait.ge @!p0 [sflag:s2], $0x2800  }
0x27: {  	[sflag:s2] =	ssyncset.done @!p0 $0x0  }
0x28: {  	[sflag:s2] =	ssyncadd.s32 @!p0 $0xFFFFD800  }
0x29: {  	[spmem:s18] =	stream.linear.scatter [tilespmem:s31], [sflag:$0x1], $0x2800, $0x38;
	[tilespmem:$0x16380] =	vst v63  }
0x2a: {  	_ =	swait.ge [sflag:s23], $0x2800  }
0x2b: {  	[sflag:s23] =	ssyncset.done $0x0  }
0x2c: {  	[sflag:s23] =	ssyncadd.s32 $0xFFFFD800  }
0x2d: {  	[spmem:s19] =	stream.linear.scatter [tilespmem:s31], [sflag:$0x1], $0x2800, $0x38;
	[tilespmem:$0x16380] =	vst v63  }
0x2e: {  	_ =	swait.ge [sflag:s23], $0x2800  }
0x2f: {  	[sflag:s23] =	ssyncset.done $0x0  }
0x30: {  	[sflag:s23] =	ssyncadd.s32 $0xFFFFD800  }
0x31: {  	[spmem:s20] =	stream.linear.scatter [tilespmem:s31], [sflag:$0x1], $0x2800, $0x38;
	[tilespmem:$0x16380] =	vst v63  }
0x32: {  	_ =	swait.ge [sflag:s23], $0x2800  }
0x33: {  	[sflag:s23] =	ssyncset.done $0x0  }
0x34: {  	[sflag:s23] =	ssyncadd.s32 $0xFFFFD800  }
0x35: {  	[spmem:s21] =	stream.linear.scatter [tilespmem:s31], [sflag:$0x1], $0x2800, $0x38;
	[tilespmem:$0x16380] =	vst v63  }
0x36: {  	_ =	swait.ge [sflag:s23], $0x2800  }
0x37: {  	[sflag:s23] =	ssyncset.done $0x0  }
0x38: {  	[sflag:s23] =	ssyncadd.s32 $0xFFFFD800  }
0x39: {  	[spmem:s22] =	stream.linear.scatter [tilespmem:s31], [sflag:$0x1], $0x2800, $0x38;
	[tilespmem:$0x16380] =	vst v63  }
0x3a: {  	_ =	swait.ge [sflag:s23], $0x2800  }
0x3b: {  	[sflag:s23] =	ssyncset.done $0x0  }
0x3c: {  	[sflag:s23] =	ssyncadd.s32 $0xFFFFD800  }
0x3d: {  	s0 =	simm.s32 $0x0;
	[bflag:$0x0] =	sbarrier.arrive $0xFFFF  }
.LBB2_4:
0x3e: {  	s2 =	smul.u32 $0x50, s0;
	_ =	sdelay $0x1  }
0x3f: {  	s2 =	sadd.s32 s5, s2  }
0x40: {  	s11 =	sshrl.u32 s2, $0x3  }
0x41: {  	s13 =	sadd.s32 s6, s11  }
0x42: {  	[tilespmem:s24], [sflag:$0x1] =	stream.linear.gather [hbm4b:s13+s31], $0x50, $0x38;
	[tilespmem:$0x16380] =	vst v63  }
0x43: {  	_ =	swait.ge [sflag:s23], $0x50  }
0x44: {  	[sflag:s23] =	ssyncset.done $0x0  }
0x45: {  	s2 =	sshll.u32 s2, $0x1;
	s11 =	sadd.s32 s8, s11;
	[sflag:s23] =	ssyncadd.s32 $0xFFFFFFB0  }
0x46: {  	[tilespmem:s25], [sflag:$0x1] =	stream.linear.gather [hbm4b:s11+s31], $0x50, $0x38;
	[tilespmem:$0x16380] =	vst v63  }
0x47: {  	s13 =	sadd.s32 s7, s2;
	_ =	swait.ge [sflag:s23], $0x50  }
0x48: {  	s11 =	sshrl.u32 s13, $0x3;
	[sflag:s23] =	ssyncset.done $0x0  }
0x49: {  	s11 =	sadd.s32 s9, s11;
	[sflag:s23] =	ssyncadd.s32 $0xFFFFFFB0  }
0x4a: {  	[tilespmem:s26], [sflag:$0x1] =	stream.linear.gather [hbm4b:s11+s31], $0xA0, $0x38;
	[tilespmem:$0x16380] =	vst v63  }
0x4b: {  	s2 =	sadd.s32 s10, s2;
	_ =	swait.ge [sflag:s23], $0xA0  }
0x4c: {  	s2 =	sshrl.u32 s2, $0x3;
	[sflag:s23] =	ssyncset.done $0x0  }
0x4d: {  	s2 =	sadd.s32 s9, s2;
	[sflag:s23] =	ssyncadd.s32 $0xFFFFFF60  }
0x4e: {  	[tilespmem:s28], [sflag:$0x1] =	stream.linear.gather [hbm4b:s2+s31], $0xA0, $0x38;
	[tilespmem:$0x16380] =	vst v63  }
0x4f: {  	_ =	swait.ge [sflag:s23], $0xA0  }
0x50: {  	[sflag:s23] =	ssyncset.done $0x0  }
0x51: {  	[sflag:s23] =	ssyncadd.s32 $0xFFFFFF60  }
0x52: {  	v2 =	vld [tilespmem:$0x2800]  }
0x53: {  	v3 =	vld [tilespmem:$0x2810]  }
0x54: {  	v4 =	vld [tilespmem:$0x2820]  }
0x55: {  	v5 =	vld [tilespmem:$0x2830]  }
0x56: {  	v6 =	vld [tilespmem:$0x2840]  }
0x57: {  	v2 =	vadd.s32 v0, v2  }
0x58: {  	[tilespmem:$0x2800] =	vst v2;
	v2 =	vadd.s32 v0, v3  }
0x59: {  	[tilespmem:$0x2810] =	vst v2;
	v2 =	vadd.s32 v0, v4  }
0x5a: {  	[tilespmem:$0x2820] =	vst v2;
	v2 =	vadd.s32 v0, v5  }
0x5b: {  	[tilespmem:$0x2830] =	vst v2;
	v2 =	vadd.s32 v0, v6  }
0x5c: {  	[tilespmem:$0x2840] =	vst v2;
	v2 =	vmov s31  }
0x5d: {  	[tilespmem:s31], [sflag:$0x1] =	stream.indirect.gather [hbm4b:s1+s29], $0x80, s24, s29, $0xb8;
	[tilespmem:$0x16380] =	vst v63  }
0x5e: {  	_ =	swait.ge [sflag:s23], $0x2800  }
0x5f: {  	[sflag:s23] =	ssyncset.done $0x0  }
0x60: {  	[sflag:s23] =	ssyncadd.s32 $0xFFFFD800  }
0x61: {  	s2 =	simm.s32 $0x40;
	v3 =	vld.idx.msk [tilespmem:v2+s26+$0x0], $0xffff  }
0x62: {  	v4 =	vld [tilespmem:s2+$0xFFFFFFC0]  }
0x63: {  	v5 =	vld [tilespmem:s2+$0xFFFFFFD0];
	_ =	sdelay $0x2  }
0x64: {  	v6 =	vor.u32 $0x1, v2  }
0x65: {  	v4 =	vmul.f32 v4, v3  }
0x66: {  	v3 =	vmul.f32 v5, v3  }
0x67: {  	[tilespmem:s2+$0xFFFFFFC0] =	vst v4  }
0x68: {  	[tilespmem:s2+$0xFFFFFFD0] =	vst v3;
	v4 =	vld [tilespmem:s2+$0xFFFFFFE0]  }
0x69: {  	v3 =	vld.idx.msk [tilespmem:v6+s26+$0x0], $0xffff  }
0x6a: {  	v5 =	vld [tilespmem:s2+$0xFFFFFFF0];
	_ =	sdelay $0x3  }
0x6b: {  	v4 =	vmul.f32 v4, v3  }
0x6c: {  	v3 =	vmul.f32 v5, v3  }
0x6d: {  	[tilespmem:s2+$0xFFFFFFE0] =	vst v4  }
0x6e: {  	[tilespmem:s2+$0xFFFFFFF0] =	vst v3;
	v3 =	vld [tilespmem:s2+$0x10]  }
0x6f: {  	v2 =	vld.idx.msk [tilespmem:v2+s28+$0x0], $0xffff  }
0x70: {  	v4 =	vld [tilespmem:s2+$0x0];
	_ =	sdelay $0x3  }
0x71: {  	v3 =	vmul.f32 v3, v2  }
0x72: {  	v2 =	vmul.f32 v4, v2  }
0x73: {  	[tilespmem:s2+$0x10] =	vst v3  }
0x74: {  	v4 =	vld [tilespmem:s2+$0x20];
	[tilespmem:s2+$0x0] =	vst v2  }
0x75: {  	v5 =	vld.idx.msk [tilespmem:v6+s28+$0x0], $0xffff  }
0x76: {  	v3 =	vld [tilespmem:s2+$0x30];
	_ =	sdelay $0x1  }
0x77: {  	s13 =	simm.s32 $0x2  }
0x78: {  	v2 =	vmov s13  }
0x79: {  	v4 =	vmul.f32 v4, v5  }
0x7a: {  	s11 =	simm.s32 $0x4;
	v3 =	vmul.f32 v3, v5  }
.LBB2_5:
0x7b: {  	p1 =	sne.s32 s11, $0x9E;
	[tilespmem:s2+$0x20] =	vst v4  }
0x7c: {  	[tilespmem:s2+$0x30] =	vst v3  }
0x7d: {  	s2 =	sadd.s32 $0x80, s2;
	v3 =	vld.idx.msk [tilespmem:v2+s26+$0x0], $0xffff  }
0x7e: {  	v4 =	vld [tilespmem:s2+$0xFFFFFFC0]  }
0x7f: {  	v5 =	vld [tilespmem:s2+$0xFFFFFFD0];
	_ =	sdelay $0x2  }
0x80: {  	v6 =	vor.u32 $0x1, v2  }
0x81: {  	v4 =	vmul.f32 v4, v3  }
0x82: {  	v3 =	vmul.f32 v5, v3  }
0x83: {  	[tilespmem:s2+$0xFFFFFFC0] =	vst v4  }
0x84: {  	[tilespmem:s2+$0xFFFFFFD0] =	vst v3  }
0x85: {  	v3 =	vld.idx.msk [tilespmem:v6+s26+$0x0], $0xffff  }
0x86: {  	v4 =	vld [tilespmem:s2+$0xFFFFFFE0]  }
0x87: {  	v5 =	vld [tilespmem:s2+$0xFFFFFFF0];
	_ =	sdelay $0x3  }
0x88: {  	v4 =	vmul.f32 v4, v3  }
0x89: {  	v3 =	vmul.f32 v5, v3  }
0x8a: {  	[tilespmem:s2+$0xFFFFFFE0] =	vst v4  }
0x8b: {  	[tilespmem:s2+$0xFFFFFFF0] =	vst v3;
	v3 =	vld [tilespmem:s2+$0x10]  }
0x8c: {  	v2 =	vld.idx.msk [tilespmem:v2+s28+$0x0], $0xffff  }
0x8d: {  	v4 =	vld [tilespmem:s2+$0x0];
	_ =	sdelay $0x4  }
0x8e: {  	v4 =	vmul.f32 v4, v2;
	v2 =	vmul.f32 v3, v2;
	_ =	sdelay $0x1  }
0x8f: {  	[tilespmem:s2+$0x10] =	vst v2  }
0x90: {  	[tilespmem:s2+$0x0] =	vst v4;
	v3 =	vld [tilespmem:s2+$0x30]  }
0x91: {  	v5 =	vld.idx.msk [tilespmem:v6+s28+$0x0], $0xffff  }
0x92: {  	v4 =	vld [tilespmem:s2+$0x20];
	_ =	sdelay $0x1  }
.Ltmp1:
0x93: {  	(pc) =	sbr.rel @p1 .LBB2_5-.Ltmp1, $4  }
0x94: {  	_ = 	snop  }
0x95: {  	v2 =	vmov s11  }
0x96: {  	v3 =	vmul.f32 v3, v5;
	v4 =	vmul.f32 v4, v5  }
0x97: {  	s11 =	sadd.s32 $0x2, s11  }
0x98: {  	_ =	sdelay $0x1  }
0x99: {  	[tilespmem:s2+$0x20] =	vst v4  }
0x9a: {  	[tilespmem:s2+$0x30] =	vst v3  }
0x9b: {  	s13 =	sadd.s32 $0x80, s2;
	v3 =	vld.idx.msk [tilespmem:v2+s26+$0x0], $0xffff  }
0x9c: {  	v59 =	vld [tilespmem:s13+$0xFFFFFFC0]  }
0x9d: {  	v5 =	vld [tilespmem:s13+$0xFFFFFFD0];
	_ =	sdelay $0x2  }
0x9e: {  	v6 =	vor.u32 $0x1, v2  }
0x9f: {  	v4 =	vmul.f32 v59, v3  }
0xa0: {  	v3 =	vmul.f32 v5, v3  }
0xa1: {  	[tilespmem:s13+$0xFFFFFFC0] =	vst v4  }
0xa2: {  	v60 =	vld [tilespmem:s13+$0xFFFFFFE0];
	[tilespmem:s13+$0xFFFFFFD0] =	vst v3  }
0xa3: {  	v3 =	vld.idx.msk [tilespmem:v6+s26+$0x0], $0xffff  }
0xa4: {  	v61 =	vld [tilespmem:s13+$0xFFFFFFF0];
	_ =	sdelay $0x3  }
0xa5: {  	v4 =	vmul.f32 v60, v3  }
0xa6: {  	v3 =	vmul.f32 v61, v3  }
0xa7: {  	[tilespmem:s13+$0xFFFFFFE0] =	vst v4  }
0xa8: {  	[tilespmem:s13+$0xFFFFFFF0] =	vst v3;
	v3 =	vld [tilespmem:s13+$0x10]  }
0xa9: {  	v2 =	vld.idx.msk [tilespmem:v2+s28+$0x0], $0xffff  }
0xaa: {  	v62 =	vld [tilespmem:s13+$0x0];
	_ =	sdelay $0x3  }
0xab: {  	v3 =	vmul.f32 v3, v2  }
0xac: {  	v2 =	vmul.f32 v62, v2  }
0xad: {  	[tilespmem:s13+$0x10] =	vst v3  }
0xae: {  	[tilespmem:s13+$0x0] =	vst v2;
	v3 =	vld [tilespmem:s13+$0x20]  }
0xaf: {  	v2 =	vld.idx.msk [tilespmem:v6+s28+$0x0], $0xffff  }
0xb0: {  	v63 =	vld [tilespmem:s13+$0x30];
	_ =	sdelay $0x3  }
0xb1: {  	v3 =	vmul.f32 v3, v2  }
0xb2: {  	s0 =	sadd.s32 $0x1, s0;
	v2 =	vmul.f32 v63, v2  }
0xb3: {  	p1 =	sne.s32 s0, $0x7D;
	[tilespmem:s13+$0x20] =	vst v3  }
.Ltmp2:
0xb4: {  	[tilespmem:s13+$0x30] =	vst v2;
	(pc) =	sbr.rel @p1 .LBB2_4-.Ltmp2, $4  }
0xb5: {  	[spmem:s3] =	stream.indirect.scatter.add.f32 [tilespmem:s4], [sflag:$0x1], $0x80, s25, s29, $0xb8;
	[tilespmem:$0x16380] =	vst v63  }
0xb6: {  	_ =	swait.ge [sflag:s23], $0x2800  }
0xb7: {  	[sflag:s23] =	ssyncset.done $0x0  }
0xb8: {  	[sflag:s23] =	ssyncadd.s32 $0xFFFFD800  }
0xb9: {  	[bflag:$0x0] =	sbarrier.arrive $0xFFFF  }
0xba: {  	s0 =	sshrl.u32 @p0 s14, $0x3;
	s2 =	simm.s32 @p0 $0x1FC1;
	s11 =	rddreg [dreg:$0x5]  }
0xbb: {  	[hbm:s11], [sflag:s2] =	dma.local @p0 [spmem:s0], $0x1900  }
0xbc: {  	s30 =	sadd.s32 $0x1, s30;
	s0 =	simm.s32 @p0 $0x1  }
0xbd: {  	p1 =	sne.s32 s30, s15;
	s2 =	stileid.u32;
	_ =	swait.ge @p0 [sflag:s0], $0x1900  }
0xbe: {  	s2 =	sshll.u32 @!p0 s2, $0x6;
	[sflag:s0] =	ssyncset.done @p0 $0x0;
	s11 =	rddreg [dreg:$0x4]  }
0xbf: {  	[sflag:s0] =	ssyncadd.s32 @p0 $0xFFFFE700;
	s0 =	sor.u32 @!p0 $0x1C01, s2;
	s2 =	sshrl.u32 @!p0 s12, $0x3  }
0xc0: {  	[hbm:s11], [sflag:s0] =	dma.local @!p0 [spmem:s2], $0x2800  }
.Ltmp3:
0xc1: {  	_ = 	snop;
	(pc) =	sbr.rel @p1 .LBB2_1-.Ltmp3, $4  }
0xc2: {  	s0 =	simm.s32 @!p0 $0x1  }
0xc3: {  	_ =	swait.ge @!p0 [sflag:s0], $0x2800  }
0xc4: {  	[sflag:s0] =	ssyncset.done @!p0 $0x0  }
0xc5: {  	[sflag:s0] =	ssyncadd.s32 @!p0 $0xFFFFD800  }
0xc6: {  	_ =	sfence.sel $0x180000  }
0xc7: {  	[bflag:$0x0] =	sbarrier.arrive $0xFFFF  }
0xc8: {  	_ =	strace $0x9000004A  }
0xc9: {  	s0 =	stileid.u32;
	[bflag:$0x2] =	sbarrier.arrive $0xFFFF  }
0xca: {  	p0 =	sne.s32 s0, $0x0;
	s0 =	rddreg [dreg:$0x3]  }
0xcb: {  	s0 =	sadd.s32 @!p0 $0x100000, s0  }
0xcc: {  	[sflag:s0] =	ssyncadd.tile.s32 @!p0 $0x1;
	_ =	shalt  }
.Lfunc_end2:
_tile_overlayer_lowered:
.L_overlay_start_2:
0xcd: {  	(tag) =	ssettag $0x2  }
0xce: {  	s0 =	rddreg [dreg:$0x0];
	s2 =	stileid.u32  }
0xcf: {  	s1 =	rddreg [dreg:$0x1];
	p0 =	sne.s32 s2, $0x0  }
0xd0: {  	s3 =	rddreg [dreg:$0x2];
	[bflag:$0x3] =	sbarrier.arrive $0xFFFF;
	s2 =	simm.s32 @!p0 $0x1C01  }
0xd1: {  	[timem:s3], [sflag:s2] =	dma.local @!p0 [hbm:s0], s1  }
0xd2: {  	s0 =	simm.s32 @!p0 $0x1  }
0xd3: {  	_ =	swait.ge @!p0 [sflag:s0], s1  }
0xd4: {  	s1 =	ssub.s32 @!p0 $0x0, s1;
	[sflag:s0] =	ssyncset.done @!p0 $0x0  }
0xd5: {  	[sflag:s0] =	ssyncadd.s32 @!p0 s1  }
0xd6: {  	[bflag:$0x3] =	sbarrier.arrive $0xFFFF  }
0xd7: {  	_ =	shalt  }

</sc_bundles>
